<compile_context>
chip_gen: v7x
topology: tpu7x:2x2x1
jax: 0.10.2.dev20260603
libtpu: 0.0.44.dev20260713+nightly
codegen_flags: <defaults>
</compile_context>

<pallas_src>
import functools
import functools as ft
import jax
import jax.numpy as jnp
from jax import lax
from jax.experimental import pallas as pl
from jax.experimental.pallas import tpu as pltpu
from jax.experimental.pallas import tpu_sc as plsc

H = 12
DH = 64
L = 2048
D = 768
K = 16
G = 8
B = 2
NJ = D // 128
NT = NJ // 2
DP = NT * 128
LP = 2176
TLA = 128
TL = 256
SCALE = DH ** -0.5

NW = 32
CH = 4
IDX_CH = CH * K
NBUF = 2


def _pack_bf16_pair(c0, c1):
    w0 = lax.bitcast_convert_type(c0, jnp.uint32)
    w1 = lax.bitcast_convert_type(c1, jnp.uint32)
    r0 = (w0 + 0x7FFF + ((w0 >> 16) & 1)) >> 16
    r1 = (w1 + 0x7FFF + ((w1 >> 16) & 1)) >> 16
    return r0 | (r1 << 16)


def _unpack_bf16_pair(w):
    c0 = lax.bitcast_convert_type(w << 16, jnp.float32)
    c1 = lax.bitcast_convert_type(w & jnp.uint32(0xFFFF0000), jnp.float32)
    return c0, c1


def _proj_body(x_ref, wq_ref, wk_ref, wv_ref, q_ref, k_ref, v_ref):
    x = x_ref[0]
    q_ref[0] = jnp.dot(x, wq_ref[...], preferred_element_type=jnp.float32)
    kk = jnp.dot(x, wk_ref[...], preferred_element_type=jnp.float32)
    vv = jnp.dot(x, wv_ref[...], preferred_element_type=jnp.float32)
    for t in range(NT):
        lo = slice(2 * t * 128, (2 * t + 1) * 128)
        hi = slice((2 * t + 1) * 128, (2 * t + 2) * 128)
        dst = slice(t * 128, (t + 1) * 128)
        k_ref[0, :, dst] = _pack_bf16_pair(kk[:, lo], kk[:, hi])
        v_ref[0, :, dst] = _pack_bf16_pair(vv[:, lo], vv[:, hi])


def _sc_gather_body(lseg, kp_hbm, vp_hbm, idx_hbm, kg_hbm, vg_hbm,
                    idx_v, kbuf, vbuf, ks0, ks1, vs0, vs1):
    nchunk = B * lseg // CH // NW
    ksem = (ks0, ks1)
    vsem = (vs0, vs1)
    wid = lax.axis_index("s") * 2 + lax.axis_index("c")
    row0 = wid * (B * lseg // NW)
    boff = (row0 // lseg) * LP
    chunk0 = wid * nchunk

    pltpu.sync_copy(idx_hbm.at[pl.ds(chunk0, nchunk)], idx_v)

    def adjust(c, carry):
        for h in range(IDX_CH // 16):
            sl = pl.ds(h * 16, 16)
            idx_v[c, sl] = idx_v[c, sl] + boff
        return carry

    lax.fori_loop(0, nchunk, adjust, 0)

    def fire(c, s):
        pltpu.async_copy(kp_hbm.at[idx_v.at[c]], kbuf.at[s], ksem[s])
        pltpu.async_copy(vp_hbm.at[idx_v.at[c]], vbuf.at[s], vsem[s])

    def drain(c, s):
        pltpu.make_async_copy(kp_hbm.at[idx_v.at[c]], kbuf.at[s],
                              ksem[s]).wait()
        pltpu.make_async_copy(vp_hbm.at[idx_v.at[c]], vbuf.at[s],
                              vsem[s]).wait()
        out_off = (chunk0 + c) * IDX_CH
        pltpu.sync_copy(kbuf.at[s], kg_hbm.at[pl.ds(out_off, IDX_CH)])
        pltpu.sync_copy(vbuf.at[s], vg_hbm.at[pl.ds(out_off, IDX_CH)])

    for s in range(NBUF):
        fire(s, s)

    def group(gi, carry):
        c = gi * NBUF
        for s in range(NBUF):
            drain(c + s, s)
            fire(c + NBUF + s, s)
        return carry

    lax.fori_loop(0, (nchunk - NBUF) // NBUF, group, 0)
    for s in range(NBUF):
        drain(nchunk - NBUF + s, s)


def _unpack_cols(ref):
    chunks = []
    for t in range(NT):
        w = ref[0, :, t * 128:(t + 1) * 128]
        c0, c1 = _unpack_bf16_pair(w)
        chunks.extend([c0, c1])
    return chunks


def _attn_body(q_ref, kg_ref, vg_ref, kself_ref, vself_ref, gk_ref, gv_ref,
               dist_ref, par_ref, wout_ref, bout_ref, o_ref):
    q = q_ref[0] * SCALE

    kg_c = _unpack_cols(kg_ref)
    ks_c = _unpack_cols(kself_ref)
    gk_c = _unpack_cols(gk_ref)

    d_over = lax.broadcasted_iota(jnp.int32, (D, H), 0) // DH
    h_ids = lax.broadcasted_iota(jnp.int32, (D, H), 1)
    S = (d_over == h_ids).astype(jnp.float32)
    d_over_t = lax.broadcasted_iota(jnp.int32, (H, D), 1) // DH
    h_ids_t = lax.broadcasted_iota(jnp.int32, (H, D), 0)
    St = (d_over_t == h_ids_t).astype(jnp.float32)

    def _gmask(g_c):
        grow = jnp.concatenate(g_c, axis=1)
        gexp = jnp.broadcast_to(grow[:, None, :], (G, H, D))
        return (gexp * St[None, :, :]).reshape(G * H, D)

    kg = jnp.concatenate(kg_c, axis=1)
    ks = jnp.concatenate(ks_c, axis=1)
    qn = jnp.broadcast_to(q[:, None, :], (TL, K, D)).reshape(TL * K, D)
    dims = (((1,), (1,)), ((), ()))
    s_n = jnp.dot(qn * kg, S, preferred_element_type=jnp.float32)
    s_s = jnp.dot(q * ks, S, preferred_element_type=jnp.float32)
    s_gf = lax.dot_general(q, _gmask(gk_c), dims,
                           preferred_element_type=jnp.float32)

    inv2s = par_ref[0:1, 0:H].reshape(1, 1, H)
    gbias = par_ref[1:2, 0:1]
    dist = dist_ref[0]
    s_n3 = s_n.reshape(TL, K, H) + (dist * dist)[:, :, None] * inv2s
    s_gf = s_gf + gbias

    m_g = ft.reduce(jnp.maximum,
                    [s_gf[:, g * H:(g + 1) * H] for g in range(G)])
    m = jnp.maximum(jnp.maximum(s_s, s_n3.max(axis=1)), m_g)
    e_s = jnp.exp(s_s - m)
    e_n = jnp.exp(s_n3 - m[:, None, :])
    m_t = jnp.concatenate([m] * G, axis=1)
    e_gf = jnp.exp(s_gf - m_t)
    sum_g = ft.reduce(jnp.add, [e_gf[:, g * H:(g + 1) * H] for g in range(G)])
    inv_den = 1.0 / (e_s + e_n.sum(axis=1) + sum_g)
    p_s = e_s * inv_den
    p_n = (e_n * inv_den[:, None, :]).reshape(TL * K, H)
    p_gf = e_gf * jnp.concatenate([inv_den] * G, axis=1)

    vg_c = _unpack_cols(vg_ref)
    vs_c = _unpack_cols(vself_ref)
    gv_c = _unpack_cols(gv_ref)

    vg = jnp.concatenate(vg_c, axis=1)
    vs = jnp.concatenate(vs_c, axis=1)
    out = jnp.dot(p_s, St, preferred_element_type=jnp.float32) * vs
    pv = jnp.dot(p_n, St, preferred_element_type=jnp.float32) * vg
    out += pv.reshape(TL, K, D).sum(axis=1)
    out += jnp.dot(p_gf, _gmask(gv_c), preferred_element_type=jnp.float32)

    o_ref[0] = (jnp.dot(out, wout_ref[...], preferred_element_type=jnp.float32)
                + bout_ref[0:1, :])


@functools.cache
def _make_sc_gather(lseg):
    return pl.kernel(
        functools.partial(_sc_gather_body, lseg),
        mesh=plsc.VectorSubcoreMesh(core_axis_name="c", subcore_axis_name="s"),
        out_type=[jax.ShapeDtypeStruct((B * lseg * K, DP), jnp.uint32)] * 2,
        scratch_types=[
            pltpu.VMEM((B * lseg // CH // NW, IDX_CH), jnp.int32),
            pltpu.VMEM((NBUF, IDX_CH, DP), jnp.uint32),
            pltpu.VMEM((NBUF, IDX_CH, DP), jnp.uint32),
            pltpu.SemaphoreType.DMA,
            pltpu.SemaphoreType.DMA,
            pltpu.SemaphoreType.DMA,
            pltpu.SemaphoreType.DMA,
        ],
    )


def kernel(spatial, topk_indices, rpe, self_rpe, distances, global_latents,
           Wq, Wk, Wv, Wout, b_out, log_sigma, global_bias):
    xall = jnp.concatenate(
        [spatial, global_latents,
         jnp.zeros((B, LP - L - G, D), spatial.dtype)], axis=1)

    q_all, kp, vp = pl.pallas_call(
        _proj_body,
        grid=(B, LP // TLA),
        in_specs=[
            pl.BlockSpec((1, TLA, D), lambda b, i: (b, i, 0)),
            pl.BlockSpec((D, D), lambda b, i: (0, 0)),
            pl.BlockSpec((D, D), lambda b, i: (0, 0)),
            pl.BlockSpec((D, D), lambda b, i: (0, 0)),
        ],
        out_specs=[
            pl.BlockSpec((1, TLA, D), lambda b, i: (b, i, 0)),
            pl.BlockSpec((1, TLA, DP), lambda b, i: (b, i, 0)),
            pl.BlockSpec((1, TLA, DP), lambda b, i: (b, i, 0)),
        ],
        out_shape=[
            jax.ShapeDtypeStruct((B, LP, D), jnp.float32),
            jax.ShapeDtypeStruct((B, LP, DP), jnp.uint32),
            jax.ShapeDtypeStruct((B, LP, DP), jnp.uint32),
        ],
    )(xall, Wq, Wk, Wv)

    params = jnp.zeros((8, 128), jnp.float32)
    params = params.at[0, :H].set(-0.5 * jnp.exp(-2.0 * log_sigma))
    params = params.at[1, 0].set(global_bias)
    bout8 = jnp.broadcast_to(b_out[None, :], (8, D))
    gk = kp[:, L:L + G]
    gv = vp[:, L:L + G]
    kp_flat = kp.reshape(B * LP, DP)
    vp_flat = vp.reshape(B * LP, DP)
    idx32 = topk_indices.astype(jnp.int32)

    idx_chunks = idx32.reshape(B * L // CH, IDX_CH)
    kg_flat, vg_flat = _make_sc_gather(L)(kp_flat, vp_flat, idx_chunks)
    kg = kg_flat.reshape(B, L * K, DP)
    vg = vg_flat.reshape(B, L * K, DP)

    out = pl.pallas_call(
        _attn_body,
        grid=(B, L // TL),
        in_specs=[
            pl.BlockSpec((1, TL, D), lambda b, i: (b, i, 0)),
            pl.BlockSpec((1, TL * K, DP), lambda b, i: (b, i, 0)),
            pl.BlockSpec((1, TL * K, DP), lambda b, i: (b, i, 0)),
            pl.BlockSpec((1, TL, DP), lambda b, i: (b, i, 0)),
            pl.BlockSpec((1, TL, DP), lambda b, i: (b, i, 0)),
            pl.BlockSpec((1, G, DP), lambda b, i: (b, 0, 0)),
            pl.BlockSpec((1, G, DP), lambda b, i: (b, 0, 0)),
            pl.BlockSpec((1, TL, K), lambda b, i: (b, i, 0)),
            pl.BlockSpec((8, 128), lambda b, i: (0, 0)),
            pl.BlockSpec((D, D), lambda b, i: (0, 0)),
            pl.BlockSpec((8, D), lambda b, i: (0, 0)),
        ],
        out_specs=pl.BlockSpec((1, TL, D), lambda b, i: (b, i, 0)),
        out_shape=jax.ShapeDtypeStruct((B, L, D), jnp.float32),
    )(q_all[:, :L], kg, vg, kp[:, :L], vp[:, :L], gk, gv,
      distances, params, Wout, bout8)
    return out

# --- scband reference (transcript-rebuilt; emitter-appended) ---
"""Pipeline reference for scband-spatial-local-attention-26774826123576 (READ-ONLY COPY).

The authoritative reference and input builder live on the scoring server;
editing this copy changes nothing except your own understanding.
"""

import jax, jax.numpy as jnp
import numpy as np
import math

H = 12
DH = 64
PE = 32

def setup_inputs(seed: int = 0):
    key = jax.random.key(seed)
    ks = jax.random.split(key, 8)
    B, L, D, K, G = 2, 2048, 768, 16, 8
    inner = H * DH
    spatial = jax.random.normal(ks[0], (B, L, D), dtype=jnp.float32)
    topk_indices = jax.random.randint(ks[1], (B, L, K), 0, L)
    rpe = jnp.zeros((B, L, K, PE), dtype=jnp.float32)
    self_rpe = jnp.zeros((B, L, 1, PE), dtype=jnp.float32)
    distances = jax.random.uniform(ks[2], (B, L, K), dtype=jnp.float32)
    global_latents = jax.random.normal(ks[3], (B, G, D), dtype=jnp.float32)
    Wq = jax.random.normal(ks[4], (D, inner), dtype=jnp.float32) * 0.02
    Wk = jax.random.normal(ks[5], (D, inner), dtype=jnp.float32) * 0.02
    Wv = jax.random.normal(ks[6], (D, inner), dtype=jnp.float32) * 0.02
    Wout = jax.random.normal(ks[7], (inner, D), dtype=jnp.float32) * 0.02
    b_out = jnp.zeros((D,), dtype=jnp.float32)
    log_sigma = jnp.full((H,), math.log(3.0), dtype=jnp.float32)
    global_bias = jnp.zeros((), dtype=jnp.float32)
    return {'spatial': spatial, 'topk_indices': topk_indices, 'rpe': rpe, 'self_rpe': self_rpe, 'distances': distances, 'global_latents': global_latents, 'Wq': Wq, 'Wk': Wk, 'Wv': Wv, 'Wout': Wout, 'b_out': b_out, 'log_sigma': log_sigma, 'global_bias': global_bias}

def _forward(spatial, topk_indices, rpe, self_rpe, distances, global_latents, Wq, Wk, Wv, Wout, b_out, log_sigma, global_bias):
    # use_rpe=False: rpe and self_rpe are accepted but unused, matching the torch module config
    B, L, D = spatial.shape
    K = topk_indices.shape[-1]
    G = global_latents.shape[1]
    scale = DH ** (-0.5)
    bidx = jnp.arange(B)[:, None, None]
    neighbors = spatial[bidx, topk_indices]  # gather: [B, L, K, D]
    context = jnp.concatenate([spatial[:, :, None, :], neighbors], axis=2)
    context = jnp.concatenate([context, jnp.broadcast_to(global_latents[:, None, :, :], (B, L, G, D))], axis=2)
    self_dist = jnp.zeros((B, L, 1), dtype=spatial.dtype)
    dist_cat = jnp.concatenate([self_dist, distances], axis=2)  # [B, L, 1+K]
    C = 1 + K + G
    Q = (spatial @ Wq).reshape(B, L, H, DH).transpose(0, 2, 1, 3)
    Kt = (context @ Wk).reshape(B, L, C, H, DH).transpose(0, 3, 1, 2, 4)
    Vt = (context @ Wv).reshape(B, L, C, H, DH).transpose(0, 3, 1, 2, 4)
    attn = jnp.einsum('bhld,bhlcd->bhlc', Q, Kt) * scale
    sigma_sq = (jnp.exp(log_sigma) ** 2).reshape(1, H, 1, 1)
    dist_sq = (dist_cat ** 2)[:, None, :, :]  # [B, 1, L, 1+K]
    gb = jnp.broadcast_to(-dist_sq / (2.0 * sigma_sq), (B, H, L, 1 + K))
    glob = jnp.broadcast_to(global_bias, (B, H, L, G))
    attn = attn + jnp.concatenate([gb, glob], axis=-1)
    attn = jax.nn.softmax(attn, axis=-1)
    out = jnp.einsum('bhlc,bhlcd->bhld', attn, Vt)
    out = out.transpose(0, 2, 1, 3).reshape(B, L, H * DH)
    return out @ Wout + b_out

def reference(spatial, topk_indices, rpe, self_rpe, distances, global_latents, Wq, Wk, Wv, Wout, b_out, log_sigma, global_bias):
    return _forward(spatial, topk_indices, rpe, self_rpe, distances, global_latents, Wq, Wk, Wv, Wout, b_out, log_sigma, global_bias)

if __name__ == "__main__":
    import jax
    _d = setup_inputs()
    print(jax.jit(kernel)(*tuple(_d.values())))

</pallas_src>

<mosaic_0001>
#map = affine_map<(d0, d1) -> (0, 0)>
module attributes {stable_mosaic.version = 14 : i64} {
  func.func @_sc_gather_body(%arg0: i32, %arg1: i32, %arg2: memref<4352x384xi32, #tpu.memory_space<hbm>>, %arg3: memref<4352x384xi32, #tpu.memory_space<hbm>>, %arg4: memref<1024x64xi32, #tpu.memory_space<hbm>>, %arg5: memref<65536x384xi32, #tpu.memory_space<hbm>>, %arg6: memref<65536x384xi32, #tpu.memory_space<hbm>>, %arg7: memref<32x64xi32, #tpu.memory_space<vmem>>, %arg8: memref<2x64x384xi32, #tpu.memory_space<vmem>>, %arg9: memref<2x64x384xi32, #tpu.memory_space<vmem>>, %arg10: memref<!tpu.dma_semaphore, #tpu.memory_space<semaphore_mem>>, %arg11: memref<!tpu.dma_semaphore, #tpu.memory_space<semaphore_mem>>, %arg12: memref<!tpu.dma_semaphore, #tpu.memory_space<semaphore_mem>>, %arg13: memref<!tpu.dma_semaphore, #tpu.memory_space<semaphore_mem>>) attributes {dimension_semantics = [#tpu.dimension_semantics<core_parallel>, #tpu.dimension_semantics<subcore_parallel>], iteration_bounds = array<i64: 2, 16>, scalar_prefetch = 0 : i64, scratch_operands = 7 : i64, tpu.core_type = #tpu.core_type<sc_vector_subcore>, window_params = [{transform_indices = #map}, {transform_indices = #map}, {transform_indices = #map}, {transform_indices = #map}, {transform_indices = #map}]} {
    %mul3A = arith.constant 2 : i32
    %mul3A_0 = arith.muli %arg1, %mul3A : i32
    %add3A = arith.addi %mul3A_0, %arg0 : i32
    %mul3A_1 = arith.constant 128 : i32
    %mul3A_2 = arith.muli %add3A, %mul3A_1 : i32
    %jit3A = arith.constant 2048 : i32
    %div3A = arith.divsi %mul3A_2, %jit3A : i32
    %sign3A = arith.constant 0 : i32
    %sign3A_3 = arith.cmpi sgt, %mul3A_2, %sign3A : i32
    %sign3A_4 = arith.extui %sign3A_3 : i1 to i32
    %sign3A_5 = arith.constant 0 : i32
    %sign3A_6 = arith.cmpi slt, %mul3A_2, %sign3A_5 : i32
    %sign3A_7 = arith.extui %sign3A_6 : i1 to i32
    %sign3A_8 = arith.subi %sign3A_4, %sign3A_7 : i32
    %sign3A_9 = arith.constant 0 : i32
    %sign3A_10 = arith.cmpi sgt, %jit3A, %sign3A_9 : i32
    %sign3A_11 = arith.extui %sign3A_10 : i1 to i32
    %sign3A_12 = arith.constant 0 : i32
    %sign3A_13 = arith.cmpi slt, %jit3A, %sign3A_12 : i32
    %sign3A_14 = arith.extui %sign3A_13 : i1 to i32
    %sign3A_15 = arith.subi %sign3A_11, %sign3A_14 : i32
    %ne3A = arith.cmpi ne, %sign3A_8, %sign3A_15 : i32
    %rem3A = arith.remsi %mul3A_2, %jit3A : i32
    %ne3A_16 = arith.constant 0 : i32
    %ne3A_17 = arith.cmpi ne, %rem3A, %ne3A_16 : i32
    %and3A = arith.andi %ne3A, %ne3A_17 : i1
    %sub3A = arith.constant 1 : i32
    %sub3A_18 = arith.subi %div3A, %sub3A : i32
    %select_n3A = arith.select %and3A, %sub3A_18, %div3A : i32
    %mul3A_19 = arith.constant 2176 : i32
    %mul3A_20 = arith.muli %select_n3A, %mul3A_19 : i32
    %mul3A_21 = arith.constant 32 : i32
    %mul3A_22 = arith.muli %add3A, %mul3A_21 : i32
    "tpu.region"() ({
      %run_scoped3A_139 = tpu.sem_alloc : memref<!tpu.dma_semaphore, #tpu.memory_space<semaphore_mem>>
      %dma_start3A_140 = arith.constant 0 : i32
      %dma_start3A_141 = tpu.memref_slice %arg4[%mul3A_22, %dma_start3A_140] : memref<1024x64xi32, #tpu.memory_space<hbm>> -> memref<32x64xi32, #tpu.memory_space<hbm>>
      %dma_start3A_142 = arith.constant 0 : i32
      %dma_start3A_143 = tpu.memref_slice %arg4[%mul3A_22, %dma_start3A_142] : memref<1024x64xi32, #tpu.memory_space<hbm>> -> memref<32x64xi32, #tpu.memory_space<hbm>>
      tpu.enqueue_dma source(%dma_start3A_143 : memref<32x64xi32, #tpu.memory_space<hbm>>) target(%arg7 : memref<32x64xi32, #tpu.memory_space<vmem>>) target_semaphore(%run_scoped3A_139 : memref<!tpu.dma_semaphore, #tpu.memory_space<semaphore_mem>>)
      %dma_wait3A_144 = arith.constant 0 : i32
      %dma_wait3A_145 = tpu.memref_slice %arg4[%mul3A_22, %dma_wait3A_144] : memref<1024x64xi32, #tpu.memory_space<hbm>> -> memref<32x64xi32, #tpu.memory_space<hbm>>
      %dma_wait3A_146 = arith.constant 0 : i32
      %dma_wait3A_147 = tpu.memref_slice %arg4[%mul3A_22, %dma_wait3A_146] : memref<1024x64xi32, #tpu.memory_space<hbm>> -> memref<32x64xi32, #tpu.memory_space<hbm>>
      tpu.wait_dma2 semaphore(%run_scoped3A_139 : memref<!tpu.dma_semaphore, #tpu.memory_space<semaphore_mem>>) src(%dma_wait3A_147 : memref<32x64xi32, #tpu.memory_space<hbm>>) dst(%arg7 : memref<32x64xi32, #tpu.memory_space<vmem>>)
      tpu.yield
    }) : () -> ()
    %scan3A = arith.constant 0 : i32
    %scan3A_23 = arith.constant 0 : i32
    %scan3A_24 = arith.constant 32 : i32
    %scan3A_25 = arith.addi %scan3A_23, %scan3A_24 : i32
    %scan3A_26 = arith.constant 1 : i32
    scf.for %scan3A_139 = %scan3A_23 to %scan3A_25 step %scan3A_26  : i32 {
      %get3A = arith.index_cast %scan3A_139 : i32 to index
      %get3A_140 = arith.constant 0 : index
      %get3A_141 = tpu.vector_load %arg7[%get3A, %get3A_140] {strides = array<i32>} : memref<32x64xi32, #tpu.memory_space<vmem>>, vector<1x16xi32>,
      %get3A_142 = vector.shape_cast %get3A_141 : vector<1x16xi32> to vector<16xi32>
      %add3A_143 = vector.broadcast %mul3A_20 : i32 to vector<16xi32>
      %add3A_144 = arith.addi %get3A_142, %add3A_143 : vector<16xi32>
      %swap3A = arith.index_cast %scan3A_139 : i32 to index
      %swap3A_145 = arith.constant 0 : index
      %swap3A_146 = tpu.vector_load %arg7[%swap3A, %swap3A_145] {strides = array<i32>} : memref<32x64xi32, #tpu.memory_space<vmem>>, vector<1x16xi32>,
      %swap3A_147 = vector.shape_cast %swap3A_146 : vector<1x16xi32> to vector<16xi32>
      %swap3A_148 = vector.shape_cast %add3A_144 : vector<16xi32> to vector<1x16xi32>
      tpu.vector_store %arg7[%swap3A, %swap3A_145], %swap3A_148 {strides = array<i32>} : memref<32x64xi32, #tpu.memory_space<vmem>>, vector<1x16xi32>,
      %get3A_149 = arith.index_cast %scan3A_139 : i32 to index
      %get3A_150 = arith.constant 16 : index
      %get3A_151 = tpu.vector_load %arg7[%get3A_149, %get3A_150] {strides = array<i32>} : memref<32x64xi32, #tpu.memory_space<vmem>>, vector<1x16xi32>,
      %get3A_152 = vector.shape_cast %get3A_151 : vector<1x16xi32> to vector<16xi32>
      %add3A_153 = vector.broadcast %mul3A_20 : i32 to vector<16xi32>
      %add3A_154 = arith.addi %get3A_152, %add3A_153 : vector<16xi32>
      %swap3A_155 = arith.index_cast %scan3A_139 : i32 to index
      %swap3A_156 = arith.constant 16 : index
      %swap3A_157 = tpu.vector_load %arg7[%swap3A_155, %swap3A_156] {strides = array<i32>} : memref<32x64xi32, #tpu.memory_space<vmem>>, vector<1x16xi32>,
      %swap3A_158 = vector.shape_cast %swap3A_157 : vector<1x16xi32> to vector<16xi32>
      %swap3A_159 = vector.shape_cast %add3A_154 : vector<16xi32> to vector<1x16xi32>
      tpu.vector_store %arg7[%swap3A_155, %swap3A_156], %swap3A_159 {strides = array<i32>} : memref<32x64xi32, #tpu.memory_space<vmem>>, vector<1x16xi32>,
      %get3A_160 = arith.index_cast %scan3A_139 : i32 to index
      %get3A_161 = arith.constant 32 : index
      %get3A_162 = tpu.vector_load %arg7[%get3A_160, %get3A_161] {strides = array<i32>} : memref<32x64xi32, #tpu.memory_space<vmem>>, vector<1x16xi32>,
      %get3A_163 = vector.shape_cast %get3A_162 : vector<1x16xi32> to vector<16xi32>
      %add3A_164 = vector.broadcast %mul3A_20 : i32 to vector<16xi32>
      %add3A_165 = arith.addi %get3A_163, %add3A_164 : vector<16xi32>
      %swap3A_166 = arith.index_cast %scan3A_139 : i32 to index
      %swap3A_167 = arith.constant 32 : index
      %swap3A_168 = tpu.vector_load %arg7[%swap3A_166, %swap3A_167] {strides = array<i32>} : memref<32x64xi32, #tpu.memory_space<vmem>>, vector<1x16xi32>,
      %swap3A_169 = vector.shape_cast %swap3A_168 : vector<1x16xi32> to vector<16xi32>
      %swap3A_170 = vector.shape_cast %add3A_165 : vector<16xi32> to vector<1x16xi32>
      tpu.vector_store %arg7[%swap3A_166, %swap3A_167], %swap3A_170 {strides = array<i32>} : memref<32x64xi32, #tpu.memory_space<vmem>>, vector<1x16xi32>,
      %get3A_171 = arith.index_cast %scan3A_139 : i32 to index
      %get3A_172 = arith.constant 48 : index
      %get3A_173 = tpu.vector_load %arg7[%get3A_171, %get3A_172] {strides = array<i32>} : memref<32x64xi32, #tpu.memory_space<vmem>>, vector<1x16xi32>,
      %get3A_174 = vector.shape_cast %get3A_173 : vector<1x16xi32> to vector<16xi32>
      %add3A_175 = vector.broadcast %mul3A_20 : i32 to vector<16xi32>
      %add3A_176 = arith.addi %get3A_174, %add3A_175 : vector<16xi32>
      %swap3A_177 = arith.index_cast %scan3A_139 : i32 to index
      %swap3A_178 = arith.constant 48 : index
      %swap3A_179 = tpu.vector_load %arg7[%swap3A_177, %swap3A_178] {strides = array<i32>} : memref<32x64xi32, #tpu.memory_space<vmem>>, vector<1x16xi32>,
      %swap3A_180 = vector.shape_cast %swap3A_179 : vector<1x16xi32> to vector<16xi32>
      %swap3A_181 = vector.shape_cast %add3A_176 : vector<16xi32> to vector<1x16xi32>
      tpu.vector_store %arg7[%swap3A_177, %swap3A_178], %swap3A_181 {strides = array<i32>} : memref<32x64xi32, #tpu.memory_space<vmem>>, vector<1x16xi32>,
    }
    %scan3A_27 = arith.constant 32 : i32
    %dma_start3A = arith.constant 0 : i32
    %dma_start3A_28 = arith.constant 0 : i32
    %dma_start3A_29 = arith.constant 0 : i32
    %dma_start3A_30 = arith.constant 0 : i32
    %dma_start3A_31 = tpu.memref_slice %arg8[%dma_start3A_28, %dma_start3A_29, %dma_start3A_30] : memref<2x64x384xi32, #tpu.memory_space<vmem>> -> memref<1x64x384xi32, #tpu.memory_space<vmem>>
    %dma_start3A_32 = tpu.memref_squeeze %dma_start3A_31 : memref<1x64x384xi32, #tpu.memory_space<vmem>> -> memref<64x384xi32, #tpu.memory_space<vmem>>
    %dma_start3A_33 = arith.constant 0 : i32
    %dma_start3A_34 = tpu.memref_slice %arg7[%dma_start3A, %dma_start3A_33] : memref<32x64xi32, #tpu.memory_space<vmem>> -> memref<1x64xi32, #tpu.memory_space<vmem>>
    %dma_start3A_35 = tpu.memref_squeeze %dma_start3A_34 : memref<1x64xi32, #tpu.memory_space<vmem>> -> memref<64xi32, #tpu.memory_space<vmem>>
    %dma_start3A_36 = arith.constant 0 : i32
    %dma_start3A_37 = arith.constant 0 : i32
    %dma_start3A_38 = tpu.memref_slice %arg2[%dma_start3A_36, %dma_start3A_37] : memref<4352x384xi32, #tpu.memory_space<hbm>> -> memref<4352x384xi32, #tpu.memory_space<hbm>>
    tpu.enqueue_indirect_dma source(%dma_start3A_38 : memref<4352x384xi32, #tpu.memory_space<hbm>>) target(%dma_start3A_32 : memref<64x384xi32, #tpu.memory_space<vmem>>) offsets(%dma_start3A_35 : memref<64xi32, #tpu.memory_space<vmem>>) semaphore(%arg10 : memref<!tpu.dma_semaphore, #tpu.memory_space<semaphore_mem>>)
    %dma_start3A_39 = arith.constant 0 : i32
    %dma_start3A_40 = arith.constant 0 : i32
    %dma_start3A_41 = arith.constant 0 : i32
    %dma_start3A_42 = arith.constant 0 : i32
    %dma_start3A_43 = tpu.memref_slice %arg9[%dma_start3A_40, %dma_start3A_41, %dma_start3A_42] : memref<2x64x384xi32, #tpu.memory_space<vmem>> -> memref<1x64x384xi32, #tpu.memory_space<vmem>>
    %dma_start3A_44 = tpu.memref_squeeze %dma_start3A_43 : memref<1x64x384xi32, #tpu.memory_space<vmem>> -> memref<64x384xi32, #tpu.memory_space<vmem>>
    %dma_start3A_45 = arith.constant 0 : i32
    %dma_start3A_46 = tpu.memref_slice %arg7[%dma_start3A_39, %dma_start3A_45] : memref<32x64xi32, #tpu.memory_space<vmem>> -> memref<1x64xi32, #tpu.memory_space<vmem>>
    %dma_start3A_47 = tpu.memref_squeeze %dma_start3A_46 : memref<1x64xi32, #tpu.memory_space<vmem>> -> memref<64xi32, #tpu.memory_space<vmem>>
    %dma_start3A_48 = arith.constant 0 : i32
    %dma_start3A_49 = arith.constant 0 : i32
    %dma_start3A_50 = tpu.memref_slice %arg3[%dma_start3A_48, %dma_start3A_49] : memref<4352x384xi32, #tpu.memory_space<hbm>> -> memref<4352x384xi32, #tpu.memory_space<hbm>>
    tpu.enqueue_indirect_dma source(%dma_start3A_50 : memref<4352x384xi32, #tpu.memory_space<hbm>>) target(%dma_start3A_44 : memref<64x384xi32, #tpu.memory_space<vmem>>) offsets(%dma_start3A_47 : memref<64xi32, #tpu.memory_space<vmem>>) semaphore(%arg12 : memref<!tpu.dma_semaphore, #tpu.memory_space<semaphore_mem>>)
    %dma_start3A_51 = arith.constant 1 : i32
    %dma_start3A_52 = arith.constant 1 : i32
    %dma_start3A_53 = arith.constant 0 : i32
    %dma_start3A_54 = arith.constant 0 : i32
    %dma_start3A_55 = tpu.memref_slice %arg8[%dma_start3A_52, %dma_start3A_53, %dma_start3A_54] : memref<2x64x384xi32, #tpu.memory_space<vmem>> -> memref<1x64x384xi32, #tpu.memory_space<vmem>>
    %dma_start3A_56 = tpu.memref_squeeze %dma_start3A_55 : memref<1x64x384xi32, #tpu.memory_space<vmem>> -> memref<64x384xi32, #tpu.memory_space<vmem>>
    %dma_start3A_57 = arith.constant 0 : i32
    %dma_start3A_58 = tpu.memref_slice %arg7[%dma_start3A_51, %dma_start3A_57] : memref<32x64xi32, #tpu.memory_space<vmem>> -> memref<1x64xi32, #tpu.memory_space<vmem>>
    %dma_start3A_59 = tpu.memref_squeeze %dma_start3A_58 : memref<1x64xi32, #tpu.memory_space<vmem>> -> memref<64xi32, #tpu.memory_space<vmem>>
    %dma_start3A_60 = arith.constant 0 : i32
    %dma_start3A_61 = arith.constant 0 : i32
    %dma_start3A_62 = tpu.memref_slice %arg2[%dma_start3A_60, %dma_start3A_61] : memref<4352x384xi32, #tpu.memory_space<hbm>> -> memref<4352x384xi32, #tpu.memory_space<hbm>>
    tpu.enqueue_indirect_dma source(%dma_start3A_62 : memref<4352x384xi32, #tpu.memory_space<hbm>>) target(%dma_start3A_56 : memref<64x384xi32, #tpu.memory_space<vmem>>) offsets(%dma_start3A_59 : memref<64xi32, #tpu.memory_space<vmem>>) semaphore(%arg11 : memref<!tpu.dma_semaphore, #tpu.memory_space<semaphore_mem>>)
    %dma_start3A_63 = arith.constant 1 : i32
    %dma_start3A_64 = arith.constant 1 : i32
    %dma_start3A_65 = arith.constant 0 : i32
    %dma_start3A_66 = arith.constant 0 : i32
    %dma_start3A_67 = tpu.memref_slice %arg9[%dma_start3A_64, %dma_start3A_65, %dma_start3A_66] : memref<2x64x384xi32, #tpu.memory_space<vmem>> -> memref<1x64x384xi32, #tpu.memory_space<vmem>>
    %dma_start3A_68 = tpu.memref_squeeze %dma_start3A_67 : memref<1x64x384xi32, #tpu.memory_space<vmem>> -> memref<64x384xi32, #tpu.memory_space<vmem>>
    %dma_start3A_69 = arith.constant 0 : i32
    %dma_start3A_70 = tpu.memref_slice %arg7[%dma_start3A_63, %dma_start3A_69] : memref<32x64xi32, #tpu.memory_space<vmem>> -> memref<1x64xi32, #tpu.memory_space<vmem>>
    %dma_start3A_71 = tpu.memref_squeeze %dma_start3A_70 : memref<1x64xi32, #tpu.memory_space<vmem>> -> memref<64xi32, #tpu.memory_space<vmem>>
    %dma_start3A_72 = arith.constant 0 : i32
    %dma_start3A_73 = arith.constant 0 : i32
    %dma_start3A_74 = tpu.memref_slice %arg3[%dma_start3A_72, %dma_start3A_73] : memref<4352x384xi32, #tpu.memory_space<hbm>> -> memref<4352x384xi32, #tpu.memory_space<hbm>>
    tpu.enqueue_indirect_dma source(%dma_start3A_74 : memref<4352x384xi32, #tpu.memory_space<hbm>>) target(%dma_start3A_68 : memref<64x384xi32, #tpu.memory_space<vmem>>) offsets(%dma_start3A_71 : memref<64xi32, #tpu.memory_space<vmem>>) semaphore(%arg13 : memref<!tpu.dma_semaphore, #tpu.memory_space<semaphore_mem>>)
    %scan3A_75 = arith.constant 0 : i32
    %scan3A_76 = arith.constant 0 : i32
    %scan3A_77 = arith.constant 15 : i32
    %scan3A_78 = arith.addi %scan3A_76, %scan3A_77 : i32
    %scan3A_79 = arith.constant 1 : i32
    scf.for %scan3A_139 = %scan3A_76 to %scan3A_78 step %scan3A_79  : i32 {
      %mul3A_140 = arith.constant 2 : i32
      %mul3A_141 = arith.muli %scan3A_139, %mul3A_140 : i32
      %add3A_142 = arith.constant 0 : i32
      %add3A_143 = arith.addi %mul3A_141, %add3A_142 : i32
      %dma_wait3A_144 = arith.constant 0 : i32
      %dma_wait3A_145 = arith.constant 0 : i32
      %dma_wait3A_146 = arith.constant 0 : i32
      %dma_wait3A_147 = tpu.memref_slice %arg8[%dma_wait3A_144, %dma_wait3A_145, %dma_wait3A_146] : memref<2x64x384xi32, #tpu.memory_space<vmem>> -> memref<1x64x384xi32, #tpu.memory_space<vmem>>
      %dma_wait3A_148 = tpu.memref_squeeze %dma_wait3A_147 : memref<1x64x384xi32, #tpu.memory_space<vmem>> -> memref<64x384xi32, #tpu.memory_space<vmem>>
      %dma_wait3A_149 = arith.constant 0 : i32
      %dma_wait3A_150 = tpu.memref_slice %arg7[%add3A_143, %dma_wait3A_149] : memref<32x64xi32, #tpu.memory_space<vmem>> -> memref<1x64xi32, #tpu.memory_space<vmem>>
      %dma_wait3A_151 = tpu.memref_squeeze %dma_wait3A_150 : memref<1x64xi32, #tpu.memory_space<vmem>> -> memref<64xi32, #tpu.memory_space<vmem>>
      %dma_wait3A_152 = arith.constant 0 : i32
      %dma_wait3A_153 = arith.constant 0 : i32
      %dma_wait3A_154 = tpu.memref_slice %arg2[%dma_wait3A_152, %dma_wait3A_153] : memref<4352x384xi32, #tpu.memory_space<hbm>> -> memref<4352x384xi32, #tpu.memory_space<hbm>>
      tpu.wait_indirect_dma semaphore(%arg10 : memref<!tpu.dma_semaphore, #tpu.memory_space<semaphore_mem>>) src(%dma_wait3A_154 : memref<4352x384xi32, #tpu.memory_space<hbm>>) dst(%dma_wait3A_148 : memref<64x384xi32, #tpu.memory_space<vmem>>)
      %dma_wait3A_155 = arith.constant 0 : i32
      %dma_wait3A_156 = arith.constant 0 : i32
      %dma_wait3A_157 = arith.constant 0 : i32
      %dma_wait3A_158 = tpu.memref_slice %arg9[%dma_wait3A_155, %dma_wait3A_156, %dma_wait3A_157] : memref<2x64x384xi32, #tpu.memory_space<vmem>> -> memref<1x64x384xi32, #tpu.memory_space<vmem>>
      %dma_wait3A_159 = tpu.memref_squeeze %dma_wait3A_158 : memref<1x64x384xi32, #tpu.memory_space<vmem>> -> memref<64x384xi32, #tpu.memory_space<vmem>>
      %dma_wait3A_160 = arith.constant 0 : i32
      %dma_wait3A_161 = tpu.memref_slice %arg7[%add3A_143, %dma_wait3A_160] : memref<32x64xi32, #tpu.memory_space<vmem>> -> memref<1x64xi32, #tpu.memory_space<vmem>>
      %dma_wait3A_162 = tpu.memref_squeeze %dma_wait3A_161 : memref<1x64xi32, #tpu.memory_space<vmem>> -> memref<64xi32, #tpu.memory_space<vmem>>
      %dma_wait3A_163 = arith.constant 0 : i32
      %dma_wait3A_164 = arith.constant 0 : i32
      %dma_wait3A_165 = tpu.memref_slice %arg3[%dma_wait3A_163, %dma_wait3A_164] : memref<4352x384xi32, #tpu.memory_space<hbm>> -> memref<4352x384xi32, #tpu.memory_space<hbm>>
      tpu.wait_indirect_dma semaphore(%arg12 : memref<!tpu.dma_semaphore, #tpu.memory_space<semaphore_mem>>) src(%dma_wait3A_165 : memref<4352x384xi32, #tpu.memory_space<hbm>>) dst(%dma_wait3A_159 : memref<64x384xi32, #tpu.memory_space<vmem>>)
      %add3A_166 = arith.addi %mul3A_22, %add3A_143 : i32
      %mul3A_167 = arith.constant 64 : i32
      %mul3A_168 = arith.muli %add3A_166, %mul3A_167 : i32
      %run_scoped3A_169 = arith.constant 0 : i32
      "tpu.region"() ({
        %run_scoped3A_252 = tpu.sem_alloc : memref<!tpu.dma_semaphore, #tpu.memory_space<semaphore_mem>>
        %dma_start3A_253 = arith.constant 0 : i32
        %dma_start3A_254 = arith.constant 0 : i32
        %dma_start3A_255 = tpu.memref_slice %arg8[%run_scoped3A_169, %dma_start3A_253, %dma_start3A_254] : memref<2x64x384xi32, #tpu.memory_space<vmem>> -> memref<1x64x384xi32, #tpu.memory_space<vmem>>
        %dma_start3A_256 = tpu.memref_squeeze %dma_start3A_255 : memref<1x64x384xi32, #tpu.memory_space<vmem>> -> memref<64x384xi32, #tpu.memory_space<vmem>>
        %dma_start3A_257 = arith.constant 0 : i32
        %dma_start3A_258 = tpu.memref_slice %arg5[%mul3A_168, %dma_start3A_257] : memref<65536x384xi32, #tpu.memory_space<hbm>> -> memref<64x384xi32, #tpu.memory_space<hbm>>
        %dma_start3A_259 = arith.constant 0 : i32
        %dma_start3A_260 = tpu.memref_slice %arg5[%mul3A_168, %dma_start3A_259] : memref<65536x384xi32, #tpu.memory_space<hbm>> -> memref<64x384xi32, #tpu.memory_space<hbm>>
        %dma_start3A_261 = arith.constant 0 : i32
        %dma_start3A_262 = arith.constant 0 : i32
        %dma_start3A_263 = tpu.memref_slice %arg8[%run_scoped3A_169, %dma_start3A_261, %dma_start3A_262] : memref<2x64x384xi32, #tpu.memory_space<vmem>> -> memref<1x64x384xi32, #tpu.memory_space<vmem>>
        %dma_start3A_264 = tpu.memref_squeeze %dma_start3A_263 : memref<1x64x384xi32, #tpu.memory_space<vmem>> -> memref<64x384xi32, #tpu.memory_space<vmem>>
        tpu.enqueue_dma source(%dma_start3A_264 : memref<64x384xi32, #tpu.memory_space<vmem>>) target(%dma_start3A_260 : memref<64x384xi32, #tpu.memory_space<hbm>>) target_semaphore(%run_scoped3A_252 : memref<!tpu.dma_semaphore, #tpu.memory_space<semaphore_mem>>)
        %dma_wait3A_265 = arith.constant 0 : i32
        %dma_wait3A_266 = arith.constant 0 : i32
        %dma_wait3A_267 = tpu.memref_slice %arg8[%run_scoped3A_169, %dma_wait3A_265, %dma_wait3A_266] : memref<2x64x384xi32, #tpu.memory_space<vmem>> -> memref<1x64x384xi32, #tpu.memory_space<vmem>>
        %dma_wait3A_268 = tpu.memref_squeeze %dma_wait3A_267 : memref<1x64x384xi32, #tpu.memory_space<vmem>> -> memref<64x384xi32, #tpu.memory_space<vmem>>
        %dma_wait3A_269 = arith.constant 0 : i32
        %dma_wait3A_270 = tpu.memref_slice %arg5[%mul3A_168, %dma_wait3A_269] : memref<65536x384xi32, #tpu.memory_space<hbm>> -> memref<64x384xi32, #tpu.memory_space<hbm>>
        %dma_wait3A_271 = arith.constant 0 : i32
        %dma_wait3A_272 = tpu.memref_slice %arg5[%mul3A_168, %dma_wait3A_271] : memref<65536x384xi32, #tpu.memory_space<hbm>> -> memref<64x384xi32, #tpu.memory_space<hbm>>
        %dma_wait3A_273 = arith.constant 0 : i32
        %dma_wait3A_274 = arith.constant 0 : i32
        %dma_wait3A_275 = tpu.memref_slice %arg8[%run_scoped3A_169, %dma_wait3A_273, %dma_wait3A_274] : memref<2x64x384xi32, #tpu.memory_space<vmem>> -> memref<1x64x384xi32, #tpu.memory_space<vmem>>
        %dma_wait3A_276 = tpu.memref_squeeze %dma_wait3A_275 : memref<1x64x384xi32, #tpu.memory_space<vmem>> -> memref<64x384xi32, #tpu.memory_space<vmem>>
        tpu.wait_dma2 semaphore(%run_scoped3A_252 : memref<!tpu.dma_semaphore, #tpu.memory_space<semaphore_mem>>) src(%dma_wait3A_276 : memref<64x384xi32, #tpu.memory_space<vmem>>) dst(%dma_wait3A_272 : memref<64x384xi32, #tpu.memory_space<hbm>>)
        tpu.yield
      }) : () -> ()
      %run_scoped3A_170 = arith.constant 0 : i32
      "tpu.region"() ({
        %run_scoped3A_252 = tpu.sem_alloc : memref<!tpu.dma_semaphore, #tpu.memory_space<semaphore_mem>>
        %dma_start3A_253 = arith.constant 0 : i32
        %dma_start3A_254 = arith.constant 0 : i32
        %dma_start3A_255 = tpu.memref_slice %arg9[%run_scoped3A_170, %dma_start3A_253, %dma_start3A_254] : memref<2x64x384xi32, #tpu.memory_space<vmem>> -> memref<1x64x384xi32, #tpu.memory_space<vmem>>
        %dma_start3A_256 = tpu.memref_squeeze %dma_start3A_255 : memref<1x64x384xi32, #tpu.memory_space<vmem>> -> memref<64x384xi32, #tpu.memory_space<vmem>>
        %dma_start3A_257 = arith.constant 0 : i32
        %dma_start3A_258 = tpu.memref_slice %arg6[%mul3A_168, %dma_start3A_257] : memref<65536x384xi32, #tpu.memory_space<hbm>> -> memref<64x384xi32, #tpu.memory_space<hbm>>
        %dma_start3A_259 = arith.constant 0 : i32
        %dma_start3A_260 = tpu.memref_slice %arg6[%mul3A_168, %dma_start3A_259] : memref<65536x384xi32, #tpu.memory_space<hbm>> -> memref<64x384xi32, #tpu.memory_space<hbm>>
        %dma_start3A_261 = arith.constant 0 : i32
        %dma_start3A_262 = arith.constant 0 : i32
        %dma_start3A_263 = tpu.memref_slice %arg9[%run_scoped3A_170, %dma_start3A_261, %dma_start3A_262] : memref<2x64x384xi32, #tpu.memory_space<vmem>> -> memref<1x64x384xi32, #tpu.memory_space<vmem>>
        %dma_start3A_264 = tpu.memref_squeeze %dma_start3A_263 : memref<1x64x384xi32, #tpu.memory_space<vmem>> -> memref<64x384xi32, #tpu.memory_space<vmem>>
        tpu.enqueue_dma source(%dma_start3A_264 : memref<64x384xi32, #tpu.memory_space<vmem>>) target(%dma_start3A_260 : memref<64x384xi32, #tpu.memory_space<hbm>>) target_semaphore(%run_scoped3A_252 : memref<!tpu.dma_semaphore, #tpu.memory_space<semaphore_mem>>)
        %dma_wait3A_265 = arith.constant 0 : i32
        %dma_wait3A_266 = arith.constant 0 : i32
        %dma_wait3A_267 = tpu.memref_slice %arg9[%run_scoped3A_170, %dma_wait3A_265, %dma_wait3A_266] : memref<2x64x384xi32, #tpu.memory_space<vmem>> -> memref<1x64x384xi32, #tpu.memory_space<vmem>>
        %dma_wait3A_268 = tpu.memref_squeeze %dma_wait3A_267 : memref<1x64x384xi32, #tpu.memory_space<vmem>> -> memref<64x384xi32, #tpu.memory_space<vmem>>
        %dma_wait3A_269 = arith.constant 0 : i32
        %dma_wait3A_270 = tpu.memref_slice %arg6[%mul3A_168, %dma_wait3A_269] : memref<65536x384xi32, #tpu.memory_space<hbm>> -> memref<64x384xi32, #tpu.memory_space<hbm>>
        %dma_wait3A_271 = arith.constant 0 : i32
        %dma_wait3A_272 = tpu.memref_slice %arg6[%mul3A_168, %dma_wait3A_271] : memref<65536x384xi32, #tpu.memory_space<hbm>> -> memref<64x384xi32, #tpu.memory_space<hbm>>
        %dma_wait3A_273 = arith.constant 0 : i32
        %dma_wait3A_274 = arith.constant 0 : i32
        %dma_wait3A_275 = tpu.memref_slice %arg9[%run_scoped3A_170, %dma_wait3A_273, %dma_wait3A_274] : memref<2x64x384xi32, #tpu.memory_space<vmem>> -> memref<1x64x384xi32, #tpu.memory_space<vmem>>
        %dma_wait3A_276 = tpu.memref_squeeze %dma_wait3A_275 : memref<1x64x384xi32, #tpu.memory_space<vmem>> -> memref<64x384xi32, #tpu.memory_space<vmem>>
        tpu.wait_dma2 semaphore(%run_scoped3A_252 : memref<!tpu.dma_semaphore, #tpu.memory_space<semaphore_mem>>) src(%dma_wait3A_276 : memref<64x384xi32, #tpu.memory_space<vmem>>) dst(%dma_wait3A_272 : memref<64x384xi32, #tpu.memory_space<hbm>>)
        tpu.yield
      }) : () -> ()
      %add3A_171 = arith.constant 2 : i32
      %add3A_172 = arith.addi %mul3A_141, %add3A_171 : i32
      %add3A_173 = arith.constant 0 : i32
      %add3A_174 = arith.addi %add3A_172, %add3A_173 : i32
      %dma_start3A_175 = arith.constant 0 : i32
      %dma_start3A_176 = arith.constant 0 : i32
      %dma_start3A_177 = arith.constant 0 : i32
      %dma_start3A_178 = tpu.memref_slice %arg8[%dma_start3A_175, %dma_start3A_176, %dma_start3A_177] : memref<2x64x384xi32, #tpu.memory_space<vmem>> -> memref<1x64x384xi32, #tpu.memory_space<vmem>>
      %dma_start3A_179 = tpu.memref_squeeze %dma_start3A_178 : memref<1x64x384xi32, #tpu.memory_space<vmem>> -> memref<64x384xi32, #tpu.memory_space<vmem>>
      %dma_start3A_180 = arith.constant 0 : i32
      %dma_start3A_181 = tpu.memref_slice %arg7[%add3A_174, %dma_start3A_180] : memref<32x64xi32, #tpu.memory_space<vmem>> -> memref<1x64xi32, #tpu.memory_space<vmem>>
      %dma_start3A_182 = tpu.memref_squeeze %dma_start3A_181 : memref<1x64xi32, #tpu.memory_space<vmem>> -> memref<64xi32, #tpu.memory_space<vmem>>
      %dma_start3A_183 = arith.constant 0 : i32
      %dma_start3A_184 = arith.constant 0 : i32
      %dma_start3A_185 = tpu.memref_slice %arg2[%dma_start3A_183, %dma_start3A_184] : memref<4352x384xi32, #tpu.memory_space<hbm>> -> memref<4352x384xi32, #tpu.memory_space<hbm>>
      tpu.enqueue_indirect_dma source(%dma_start3A_185 : memref<4352x384xi32, #tpu.memory_space<hbm>>) target(%dma_start3A_179 : memref<64x384xi32, #tpu.memory_space<vmem>>) offsets(%dma_start3A_182 : memref<64xi32, #tpu.memory_space<vmem>>) semaphore(%arg10 : memref<!tpu.dma_semaphore, #tpu.memory_space<semaphore_mem>>)
      %dma_start3A_186 = arith.constant 0 : i32
      %dma_start3A_187 = arith.constant 0 : i32
      %dma_start3A_188 = arith.constant 0 : i32
      %dma_start3A_189 = tpu.memref_slice %arg9[%dma_start3A_186, %dma_start3A_187, %dma_start3A_188] : memref<2x64x384xi32, #tpu.memory_space<vmem>> -> memref<1x64x384xi32, #tpu.memory_space<vmem>>
      %dma_start3A_190 = tpu.memref_squeeze %dma_start3A_189 : memref<1x64x384xi32, #tpu.memory_space<vmem>> -> memref<64x384xi32, #tpu.memory_space<vmem>>
      %dma_start3A_191 = arith.constant 0 : i32
      %dma_start3A_192 = tpu.memref_slice %arg7[%add3A_174, %dma_start3A_191] : memref<32x64xi32, #tpu.memory_space<vmem>> -> memref<1x64xi32, #tpu.memory_space<vmem>>
      %dma_start3A_193 = tpu.memref_squeeze %dma_start3A_192 : memref<1x64xi32, #tpu.memory_space<vmem>> -> memref<64xi32, #tpu.memory_space<vmem>>
      %dma_start3A_194 = arith.constant 0 : i32
      %dma_start3A_195 = arith.constant 0 : i32
      %dma_start3A_196 = tpu.memref_slice %arg3[%dma_start3A_194, %dma_start3A_195] : memref<4352x384xi32, #tpu.memory_space<hbm>> -> memref<4352x384xi32, #tpu.memory_space<hbm>>
      tpu.enqueue_indirect_dma source(%dma_start3A_196 : memref<4352x384xi32, #tpu.memory_space<hbm>>) target(%dma_start3A_190 : memref<64x384xi32, #tpu.memory_space<vmem>>) offsets(%dma_start3A_193 : memref<64xi32, #tpu.memory_space<vmem>>) semaphore(%arg12 : memref<!tpu.dma_semaphore, #tpu.memory_space<semaphore_mem>>)
      %add3A_197 = arith.constant 1 : i32
      %add3A_198 = arith.addi %mul3A_141, %add3A_197 : i32
      %dma_wait3A_199 = arith.constant 1 : i32
      %dma_wait3A_200 = arith.constant 0 : i32
      %dma_wait3A_201 = arith.constant 0 : i32
      %dma_wait3A_202 = tpu.memref_slice %arg8[%dma_wait3A_199, %dma_wait3A_200, %dma_wait3A_201] : memref<2x64x384xi32, #tpu.memory_space<vmem>> -> memref<1x64x384xi32, #tpu.memory_space<vmem>>
      %dma_wait3A_203 = tpu.memref_squeeze %dma_wait3A_202 : memref<1x64x384xi32, #tpu.memory_space<vmem>> -> memref<64x384xi32, #tpu.memory_space<vmem>>
      %dma_wait3A_204 = arith.constant 0 : i32
      %dma_wait3A_205 = tpu.memref_slice %arg7[%add3A_198, %dma_wait3A_204] : memref<32x64xi32, #tpu.memory_space<vmem>> -> memref<1x64xi32, #tpu.memory_space<vmem>>
      %dma_wait3A_206 = tpu.memref_squeeze %dma_wait3A_205 : memref<1x64xi32, #tpu.memory_space<vmem>> -> memref<64xi32, #tpu.memory_space<vmem>>
      %dma_wait3A_207 = arith.constant 0 : i32
      %dma_wait3A_208 = arith.constant 0 : i32
      %dma_wait3A_209 = tpu.memref_slice %arg2[%dma_wait3A_207, %dma_wait3A_208] : memref<4352x384xi32, #tpu.memory_space<hbm>> -> memref<4352x384xi32, #tpu.memory_space<hbm>>
      tpu.wait_indirect_dma semaphore(%arg11 : memref<!tpu.dma_semaphore, #tpu.memory_space<semaphore_mem>>) src(%dma_wait3A_209 : memref<4352x384xi32, #tpu.memory_space<hbm>>) dst(%dma_wait3A_203 : memref<64x384xi32, #tpu.memory_space<vmem>>)
      %dma_wait3A_210 = arith.constant 1 : i32
      %dma_wait3A_211 = arith.constant 0 : i32
      %dma_wait3A_212 = arith.constant 0 : i32
      %dma_wait3A_213 = tpu.memref_slice %arg9[%dma_wait3A_210, %dma_wait3A_211, %dma_wait3A_212] : memref<2x64x384xi32, #tpu.memory_space<vmem>> -> memref<1x64x384xi32, #tpu.memory_space<vmem>>
      %dma_wait3A_214 = tpu.memref_squeeze %dma_wait3A_213 : memref<1x64x384xi32, #tpu.memory_space<vmem>> -> memref<64x384xi32, #tpu.memory_space<vmem>>
      %dma_wait3A_215 = arith.constant 0 : i32
      %dma_wait3A_216 = tpu.memref_slice %arg7[%add3A_198, %dma_wait3A_215] : memref<32x64xi32, #tpu.memory_space<vmem>> -> memref<1x64xi32, #tpu.memory_space<vmem>>
      %dma_wait3A_217 = tpu.memref_squeeze %dma_wait3A_216 : memref<1x64xi32, #tpu.memory_space<vmem>> -> memref<64xi32, #tpu.memory_space<vmem>>
      %dma_wait3A_218 = arith.constant 0 : i32
      %dma_wait3A_219 = arith.constant 0 : i32
      %dma_wait3A_220 = tpu.memref_slice %arg3[%dma_wait3A_218, %dma_wait3A_219] : memref<4352x384xi32, #tpu.memory_space<hbm>> -> memref<4352x384xi32, #tpu.memory_space<hbm>>
      tpu.wait_indirect_dma semaphore(%arg13 : memref<!tpu.dma_semaphore, #tpu.memory_space<semaphore_mem>>) src(%dma_wait3A_220 : memref<4352x384xi32, #tpu.memory_space<hbm>>) dst(%dma_wait3A_214 : memref<64x384xi32, #tpu.memory_space<vmem>>)
      %add3A_221 = arith.addi %mul3A_22, %add3A_198 : i32
      %mul3A_222 = arith.constant 64 : i32
      %mul3A_223 = arith.muli %add3A_221, %mul3A_222 : i32
      %run_scoped3A_224 = arith.constant 1 : i32
      "tpu.region"() ({
        %run_scoped3A_252 = tpu.sem_alloc : memref<!tpu.dma_semaphore, #tpu.memory_space<semaphore_mem>>
        %dma_start3A_253 = arith.constant 0 : i32
        %dma_start3A_254 = arith.constant 0 : i32
        %dma_start3A_255 = tpu.memref_slice %arg8[%run_scoped3A_224, %dma_start3A_253, %dma_start3A_254] : memref<2x64x384xi32, #tpu.memory_space<vmem>> -> memref<1x64x384xi32, #tpu.memory_space<vmem>>
        %dma_start3A_256 = tpu.memref_squeeze %dma_start3A_255 : memref<1x64x384xi32, #tpu.memory_space<vmem>> -> memref<64x384xi32, #tpu.memory_space<vmem>>
        %dma_start3A_257 = arith.constant 0 : i32
        %dma_start3A_258 = tpu.memref_slice %arg5[%mul3A_223, %dma_start3A_257] : memref<65536x384xi32, #tpu.memory_space<hbm>> -> memref<64x384xi32, #tpu.memory_space<hbm>>
        %dma_start3A_259 = arith.constant 0 : i32
        %dma_start3A_260 = tpu.memref_slice %arg5[%mul3A_223, %dma_start3A_259] : memref<65536x384xi32, #tpu.memory_space<hbm>> -> memref<64x384xi32, #tpu.memory_space<hbm>>
        %dma_start3A_261 = arith.constant 0 : i32
        %dma_start3A_262 = arith.constant 0 : i32
        %dma_start3A_263 = tpu.memref_slice %arg8[%run_scoped3A_224, %dma_start3A_261, %dma_start3A_262] : memref<2x64x384xi32, #tpu.memory_space<vmem>> -> memref<1x64x384xi32, #tpu.memory_space<vmem>>
        %dma_start3A_264 = tpu.memref_squeeze %dma_start3A_263 : memref<1x64x384xi32, #tpu.memory_space<vmem>> -> memref<64x384xi32, #tpu.memory_space<vmem>>
        tpu.enqueue_dma source(%dma_start3A_264 : memref<64x384xi32, #tpu.memory_space<vmem>>) target(%dma_start3A_260 : memref<64x384xi32, #tpu.memory_space<hbm>>) target_semaphore(%run_scoped3A_252 : memref<!tpu.dma_semaphore, #tpu.memory_space<semaphore_mem>>)
        %dma_wait3A_265 = arith.constant 0 : i32
        %dma_wait3A_266 = arith.constant 0 : i32
        %dma_wait3A_267 = tpu.memref_slice %arg8[%run_scoped3A_224, %dma_wait3A_265, %dma_wait3A_266] : memref<2x64x384xi32, #tpu.memory_space<vmem>> -> memref<1x64x384xi32, #tpu.memory_space<vmem>>
        %dma_wait3A_268 = tpu.memref_squeeze %dma_wait3A_267 : memref<1x64x384xi32, #tpu.memory_space<vmem>> -> memref<64x384xi32, #tpu.memory_space<vmem>>
        %dma_wait3A_269 = arith.constant 0 : i32
        %dma_wait3A_270 = tpu.memref_slice %arg5[%mul3A_223, %dma_wait3A_269] : memref<65536x384xi32, #tpu.memory_space<hbm>> -> memref<64x384xi32, #tpu.memory_space<hbm>>
        %dma_wait3A_271 = arith.constant 0 : i32
        %dma_wait3A_272 = tpu.memref_slice %arg5[%mul3A_223, %dma_wait3A_271] : memref<65536x384xi32, #tpu.memory_space<hbm>> -> memref<64x384xi32, #tpu.memory_space<hbm>>
        %dma_wait3A_273 = arith.constant 0 : i32
        %dma_wait3A_274 = arith.constant 0 : i32
        %dma_wait3A_275 = tpu.memref_slice %arg8[%run_scoped3A_224, %dma_wait3A_273, %dma_wait3A_274] : memref<2x64x384xi32, #tpu.memory_space<vmem>> -> memref<1x64x384xi32, #tpu.memory_space<vmem>>
        %dma_wait3A_276 = tpu.memref_squeeze %dma_wait3A_275 : memref<1x64x384xi32, #tpu.memory_space<vmem>> -> memref<64x384xi32, #tpu.memory_space<vmem>>
        tpu.wait_dma2 semaphore(%run_scoped3A_252 : memref<!tpu.dma_semaphore, #tpu.memory_space<semaphore_mem>>) src(%dma_wait3A_276 : memref<64x384xi32, #tpu.memory_space<vmem>>) dst(%dma_wait3A_272 : memref<64x384xi32, #tpu.memory_space<hbm>>)
        tpu.yield
      }) : () -> ()
      %run_scoped3A_225 = arith.constant 1 : i32
      "tpu.region"() ({
        %run_scoped3A_252 = tpu.sem_alloc : memref<!tpu.dma_semaphore, #tpu.memory_space<semaphore_mem>>
        %dma_start3A_253 = arith.constant 0 : i32
        %dma_start3A_254 = arith.constant 0 : i32
        %dma_start3A_255 = tpu.memref_slice %arg9[%run_scoped3A_225, %dma_start3A_253, %dma_start3A_254] : memref<2x64x384xi32, #tpu.memory_space<vmem>> -> memref<1x64x384xi32, #tpu.memory_space<vmem>>
        %dma_start3A_256 = tpu.memref_squeeze %dma_start3A_255 : memref<1x64x384xi32, #tpu.memory_space<vmem>> -> memref<64x384xi32, #tpu.memory_space<vmem>>
        %dma_start3A_257 = arith.constant 0 : i32
        %dma_start3A_258 = tpu.memref_slice %arg6[%mul3A_223, %dma_start3A_257] : memref<65536x384xi32, #tpu.memory_space<hbm>> -> memref<64x384xi32, #tpu.memory_space<hbm>>
        %dma_start3A_259 = arith.constant 0 : i32
        %dma_start3A_260 = tpu.memref_slice %arg6[%mul3A_223, %dma_start3A_259] : memref<65536x384xi32, #tpu.memory_space<hbm>> -> memref<64x384xi32, #tpu.memory_space<hbm>>
        %dma_start3A_261 = arith.constant 0 : i32
        %dma_start3A_262 = arith.constant 0 : i32
        %dma_start3A_263 = tpu.memref_slice %arg9[%run_scoped3A_225, %dma_start3A_261, %dma_start3A_262] : memref<2x64x384xi32, #tpu.memory_space<vmem>> -> memref<1x64x384xi32, #tpu.memory_space<vmem>>
        %dma_start3A_264 = tpu.memref_squeeze %dma_start3A_263 : memref<1x64x384xi32, #tpu.memory_space<vmem>> -> memref<64x384xi32, #tpu.memory_space<vmem>>
        tpu.enqueue_dma source(%dma_start3A_264 : memref<64x384xi32, #tpu.memory_space<vmem>>) target(%dma_start3A_260 : memref<64x384xi32, #tpu.memory_space<hbm>>) target_semaphore(%run_scoped3A_252 : memref<!tpu.dma_semaphore, #tpu.memory_space<semaphore_mem>>)
        %dma_wait3A_265 = arith.constant 0 : i32
        %dma_wait3A_266 = arith.constant 0 : i32
        %dma_wait3A_267 = tpu.memref_slice %arg9[%run_scoped3A_225, %dma_wait3A_265, %dma_wait3A_266] : memref<2x64x384xi32, #tpu.memory_space<vmem>> -> memref<1x64x384xi32, #tpu.memory_space<vmem>>
        %dma_wait3A_268 = tpu.memref_squeeze %dma_wait3A_267 : memref<1x64x384xi32, #tpu.memory_space<vmem>> -> memref<64x384xi32, #tpu.memory_space<vmem>>
        %dma_wait3A_269 = arith.constant 0 : i32
        %dma_wait3A_270 = tpu.memref_slice %arg6[%mul3A_223, %dma_wait3A_269] : memref<65536x384xi32, #tpu.memory_space<hbm>> -> memref<64x384xi32, #tpu.memory_space<hbm>>
        %dma_wait3A_271 = arith.constant 0 : i32
        %dma_wait3A_272 = tpu.memref_slice %arg6[%mul3A_223, %dma_wait3A_271] : memref<65536x384xi32, #tpu.memory_space<hbm>> -> memref<64x384xi32, #tpu.memory_space<hbm>>
        %dma_wait3A_273 = arith.constant 0 : i32
        %dma_wait3A_274 = arith.constant 0 : i32
        %dma_wait3A_275 = tpu.memref_slice %arg9[%run_scoped3A_225, %dma_wait3A_273, %dma_wait3A_274] : memref<2x64x384xi32, #tpu.memory_space<vmem>> -> memref<1x64x384xi32, #tpu.memory_space<vmem>>
        %dma_wait3A_276 = tpu.memref_squeeze %dma_wait3A_275 : memref<1x64x384xi32, #tpu.memory_space<vmem>> -> memref<64x384xi32, #tpu.memory_space<vmem>>
        tpu.wait_dma2 semaphore(%run_scoped3A_252 : memref<!tpu.dma_semaphore, #tpu.memory_space<semaphore_mem>>) src(%dma_wait3A_276 : memref<64x384xi32, #tpu.memory_space<vmem>>) dst(%dma_wait3A_272 : memref<64x384xi32, #tpu.memory_space<hbm>>)
        tpu.yield
      }) : () -> ()
      %add3A_226 = arith.constant 2 : i32
      %add3A_227 = arith.addi %mul3A_141, %add3A_226 : i32
      %add3A_228 = arith.constant 1 : i32
      %add3A_229 = arith.addi %add3A_227, %add3A_228 : i32
      %dma_start3A_230 = arith.constant 1 : i32
      %dma_start3A_231 = arith.constant 0 : i32
      %dma_start3A_232 = arith.constant 0 : i32
      %dma_start3A_233 = tpu.memref_slice %arg8[%dma_start3A_230, %dma_start3A_231, %dma_start3A_232] : memref<2x64x384xi32, #tpu.memory_space<vmem>> -> memref<1x64x384xi32, #tpu.memory_space<vmem>>
      %dma_start3A_234 = tpu.memref_squeeze %dma_start3A_233 : memref<1x64x384xi32, #tpu.memory_space<vmem>> -> memref<64x384xi32, #tpu.memory_space<vmem>>
      %dma_start3A_235 = arith.constant 0 : i32
      %dma_start3A_236 = tpu.memref_slice %arg7[%add3A_229, %dma_start3A_235] : memref<32x64xi32, #tpu.memory_space<vmem>> -> memref<1x64xi32, #tpu.memory_space<vmem>>
      %dma_start3A_237 = tpu.memref_squeeze %dma_start3A_236 : memref<1x64xi32, #tpu.memory_space<vmem>> -> memref<64xi32, #tpu.memory_space<vmem>>
      %dma_start3A_238 = arith.constant 0 : i32
      %dma_start3A_239 = arith.constant 0 : i32
      %dma_start3A_240 = tpu.memref_slice %arg2[%dma_start3A_238, %dma_start3A_239] : memref<4352x384xi32, #tpu.memory_space<hbm>> -> memref<4352x384xi32, #tpu.memory_space<hbm>>
      tpu.enqueue_indirect_dma source(%dma_start3A_240 : memref<4352x384xi32, #tpu.memory_space<hbm>>) target(%dma_start3A_234 : memref<64x384xi32, #tpu.memory_space<vmem>>) offsets(%dma_start3A_237 : memref<64xi32, #tpu.memory_space<vmem>>) semaphore(%arg11 : memref<!tpu.dma_semaphore, #tpu.memory_space<semaphore_mem>>)
      %dma_start3A_241 = arith.constant 1 : i32
      %dma_start3A_242 = arith.constant 0 : i32
      %dma_start3A_243 = arith.constant 0 : i32
      %dma_start3A_244 = tpu.memref_slice %arg9[%dma_start3A_241, %dma_start3A_242, %dma_start3A_243] : memref<2x64x384xi32, #tpu.memory_space<vmem>> -> memref<1x64x384xi32, #tpu.memory_space<vmem>>
      %dma_start3A_245 = tpu.memref_squeeze %dma_start3A_244 : memref<1x64x384xi32, #tpu.memory_space<vmem>> -> memref<64x384xi32, #tpu.memory_space<vmem>>
      %dma_start3A_246 = arith.constant 0 : i32
      %dma_start3A_247 = tpu.memref_slice %arg7[%add3A_229, %dma_start3A_246] : memref<32x64xi32, #tpu.memory_space<vmem>> -> memref<1x64xi32, #tpu.memory_space<vmem>>
      %dma_start3A_248 = tpu.memref_squeeze %dma_start3A_247 : memref<1x64xi32, #tpu.memory_space<vmem>> -> memref<64xi32, #tpu.memory_space<vmem>>
      %dma_start3A_249 = arith.constant 0 : i32
      %dma_start3A_250 = arith.constant 0 : i32
      %dma_start3A_251 = tpu.memref_slice %arg3[%dma_start3A_249, %dma_start3A_250] : memref<4352x384xi32, #tpu.memory_space<hbm>> -> memref<4352x384xi32, #tpu.memory_space<hbm>>
      tpu.enqueue_indirect_dma source(%dma_start3A_251 : memref<4352x384xi32, #tpu.memory_space<hbm>>) target(%dma_start3A_245 : memref<64x384xi32, #tpu.memory_space<vmem>>) offsets(%dma_start3A_248 : memref<64xi32, #tpu.memory_space<vmem>>) semaphore(%arg13 : memref<!tpu.dma_semaphore, #tpu.memory_space<semaphore_mem>>)
    }
    %scan3A_80 = arith.constant 15 : i32
    %dma_wait3A = arith.constant 30 : i32
    %dma_wait3A_81 = arith.constant 0 : i32
    %dma_wait3A_82 = arith.constant 0 : i32
    %dma_wait3A_83 = arith.constant 0 : i32
    %dma_wait3A_84 = tpu.memref_slice %arg8[%dma_wait3A_81, %dma_wait3A_82, %dma_wait3A_83] : memref<2x64x384xi32, #tpu.memory_space<vmem>> -> memref<1x64x384xi32, #tpu.memory_space<vmem>>
    %dma_wait3A_85 = tpu.memref_squeeze %dma_wait3A_84 : memref<1x64x384xi32, #tpu.memory_space<vmem>> -> memref<64x384xi32, #tpu.memory_space<vmem>>
    %dma_wait3A_86 = arith.constant 0 : i32
    %dma_wait3A_87 = tpu.memref_slice %arg7[%dma_wait3A, %dma_wait3A_86] : memref<32x64xi32, #tpu.memory_space<vmem>> -> memref<1x64xi32, #tpu.memory_space<vmem>>
    %dma_wait3A_88 = tpu.memref_squeeze %dma_wait3A_87 : memref<1x64xi32, #tpu.memory_space<vmem>> -> memref<64xi32, #tpu.memory_space<vmem>>
    %dma_wait3A_89 = arith.constant 0 : i32
    %dma_wait3A_90 = arith.constant 0 : i32
    %dma_wait3A_91 = tpu.memref_slice %arg2[%dma_wait3A_89, %dma_wait3A_90] : memref<4352x384xi32, #tpu.memory_space<hbm>> -> memref<4352x384xi32, #tpu.memory_space<hbm>>
    tpu.wait_indirect_dma semaphore(%arg10 : memref<!tpu.dma_semaphore, #tpu.memory_space<semaphore_mem>>) src(%dma_wait3A_91 : memref<4352x384xi32, #tpu.memory_space<hbm>>) dst(%dma_wait3A_85 : memref<64x384xi32, #tpu.memory_space<vmem>>)
    %dma_wait3A_92 = arith.constant 30 : i32
    %dma_wait3A_93 = arith.constant 0 : i32
    %dma_wait3A_94 = arith.constant 0 : i32
    %dma_wait3A_95 = arith.constant 0 : i32
    %dma_wait3A_96 = tpu.memref_slice %arg9[%dma_wait3A_93, %dma_wait3A_94, %dma_wait3A_95] : memref<2x64x384xi32, #tpu.memory_space<vmem>> -> memref<1x64x384xi32, #tpu.memory_space<vmem>>
    %dma_wait3A_97 = tpu.memref_squeeze %dma_wait3A_96 : memref<1x64x384xi32, #tpu.memory_space<vmem>> -> memref<64x384xi32, #tpu.memory_space<vmem>>
    %dma_wait3A_98 = arith.constant 0 : i32
    %dma_wait3A_99 = tpu.memref_slice %arg7[%dma_wait3A_92, %dma_wait3A_98] : memref<32x64xi32, #tpu.memory_space<vmem>> -> memref<1x64xi32, #tpu.memory_space<vmem>>
    %dma_wait3A_100 = tpu.memref_squeeze %dma_wait3A_99 : memref<1x64xi32, #tpu.memory_space<vmem>> -> memref<64xi32, #tpu.memory_space<vmem>>
    %dma_wait3A_101 = arith.constant 0 : i32
    %dma_wait3A_102 = arith.constant 0 : i32
    %dma_wait3A_103 = tpu.memref_slice %arg3[%dma_wait3A_101, %dma_wait3A_102] : memref<4352x384xi32, #tpu.memory_space<hbm>> -> memref<4352x384xi32, #tpu.memory_space<hbm>>
    tpu.wait_indirect_dma semaphore(%arg12 : memref<!tpu.dma_semaphore, #tpu.memory_space<semaphore_mem>>) src(%dma_wait3A_103 : memref<4352x384xi32, #tpu.memory_space<hbm>>) dst(%dma_wait3A_97 : memref<64x384xi32, #tpu.memory_space<vmem>>)
    %add3A_104 = arith.constant 30 : i32
    %add3A_105 = arith.addi %mul3A_22, %add3A_104 : i32
    %mul3A_106 = arith.constant 64 : i32
    %mul3A_107 = arith.muli %add3A_105, %mul3A_106 : i32
    %run_scoped3A = arith.constant 0 : i32
    "tpu.region"() ({
      %run_scoped3A_139 = tpu.sem_alloc : memref<!tpu.dma_semaphore, #tpu.memory_space<semaphore_mem>>
      %dma_start3A_140 = arith.constant 0 : i32
      %dma_start3A_141 = arith.constant 0 : i32
      %dma_start3A_142 = tpu.memref_slice %arg8[%run_scoped3A, %dma_start3A_140, %dma_start3A_141] : memref<2x64x384xi32, #tpu.memory_space<vmem>> -> memref<1x64x384xi32, #tpu.memory_space<vmem>>
      %dma_start3A_143 = tpu.memref_squeeze %dma_start3A_142 : memref<1x64x384xi32, #tpu.memory_space<vmem>> -> memref<64x384xi32, #tpu.memory_space<vmem>>
      %dma_start3A_144 = arith.constant 0 : i32
      %dma_start3A_145 = tpu.memref_slice %arg5[%mul3A_107, %dma_start3A_144] : memref<65536x384xi32, #tpu.memory_space<hbm>> -> memref<64x384xi32, #tpu.memory_space<hbm>>
      %dma_start3A_146 = arith.constant 0 : i32
      %dma_start3A_147 = tpu.memref_slice %arg5[%mul3A_107, %dma_start3A_146] : memref<65536x384xi32, #tpu.memory_space<hbm>> -> memref<64x384xi32, #tpu.memory_space<hbm>>
      %dma_start3A_148 = arith.constant 0 : i32
      %dma_start3A_149 = arith.constant 0 : i32
      %dma_start3A_150 = tpu.memref_slice %arg8[%run_scoped3A, %dma_start3A_148, %dma_start3A_149] : memref<2x64x384xi32, #tpu.memory_space<vmem>> -> memref<1x64x384xi32, #tpu.memory_space<vmem>>
      %dma_start3A_151 = tpu.memref_squeeze %dma_start3A_150 : memref<1x64x384xi32, #tpu.memory_space<vmem>> -> memref<64x384xi32, #tpu.memory_space<vmem>>
      tpu.enqueue_dma source(%dma_start3A_151 : memref<64x384xi32, #tpu.memory_space<vmem>>) target(%dma_start3A_147 : memref<64x384xi32, #tpu.memory_space<hbm>>) target_semaphore(%run_scoped3A_139 : memref<!tpu.dma_semaphore, #tpu.memory_space<semaphore_mem>>)
      %dma_wait3A_152 = arith.constant 0 : i32
      %dma_wait3A_153 = arith.constant 0 : i32
      %dma_wait3A_154 = tpu.memref_slice %arg8[%run_scoped3A, %dma_wait3A_152, %dma_wait3A_153] : memref<2x64x384xi32, #tpu.memory_space<vmem>> -> memref<1x64x384xi32, #tpu.memory_space<vmem>>
      %dma_wait3A_155 = tpu.memref_squeeze %dma_wait3A_154 : memref<1x64x384xi32, #tpu.memory_space<vmem>> -> memref<64x384xi32, #tpu.memory_space<vmem>>
      %dma_wait3A_156 = arith.constant 0 : i32
      %dma_wait3A_157 = tpu.memref_slice %arg5[%mul3A_107, %dma_wait3A_156] : memref<65536x384xi32, #tpu.memory_space<hbm>> -> memref<64x384xi32, #tpu.memory_space<hbm>>
      %dma_wait3A_158 = arith.constant 0 : i32
      %dma_wait3A_159 = tpu.memref_slice %arg5[%mul3A_107, %dma_wait3A_158] : memref<65536x384xi32, #tpu.memory_space<hbm>> -> memref<64x384xi32, #tpu.memory_space<hbm>>
      %dma_wait3A_160 = arith.constant 0 : i32
      %dma_wait3A_161 = arith.constant 0 : i32
      %dma_wait3A_162 = tpu.memref_slice %arg8[%run_scoped3A, %dma_wait3A_160, %dma_wait3A_161] : memref<2x64x384xi32, #tpu.memory_space<vmem>> -> memref<1x64x384xi32, #tpu.memory_space<vmem>>
      %dma_wait3A_163 = tpu.memref_squeeze %dma_wait3A_162 : memref<1x64x384xi32, #tpu.memory_space<vmem>> -> memref<64x384xi32, #tpu.memory_space<vmem>>
      tpu.wait_dma2 semaphore(%run_scoped3A_139 : memref<!tpu.dma_semaphore, #tpu.memory_space<semaphore_mem>>) src(%dma_wait3A_163 : memref<64x384xi32, #tpu.memory_space<vmem>>) dst(%dma_wait3A_159 : memref<64x384xi32, #tpu.memory_space<hbm>>)
      tpu.yield
    }) : () -> ()
    %run_scoped3A_108 = arith.constant 0 : i32
    "tpu.region"() ({
      %run_scoped3A_139 = tpu.sem_alloc : memref<!tpu.dma_semaphore, #tpu.memory_space<semaphore_mem>>
      %dma_start3A_140 = arith.constant 0 : i32
      %dma_start3A_141 = arith.constant 0 : i32
      %dma_start3A_142 = tpu.memref_slice %arg9[%run_scoped3A_108, %dma_start3A_140, %dma_start3A_141] : memref<2x64x384xi32, #tpu.memory_space<vmem>> -> memref<1x64x384xi32, #tpu.memory_space<vmem>>
      %dma_start3A_143 = tpu.memref_squeeze %dma_start3A_142 : memref<1x64x384xi32, #tpu.memory_space<vmem>> -> memref<64x384xi32, #tpu.memory_space<vmem>>
      %dma_start3A_144 = arith.constant 0 : i32
      %dma_start3A_145 = tpu.memref_slice %arg6[%mul3A_107, %dma_start3A_144] : memref<65536x384xi32, #tpu.memory_space<hbm>> -> memref<64x384xi32, #tpu.memory_space<hbm>>
      %dma_start3A_146 = arith.constant 0 : i32
      %dma_start3A_147 = tpu.memref_slice %arg6[%mul3A_107, %dma_start3A_146] : memref<65536x384xi32, #tpu.memory_space<hbm>> -> memref<64x384xi32, #tpu.memory_space<hbm>>
      %dma_start3A_148 = arith.constant 0 : i32
      %dma_start3A_149 = arith.constant 0 : i32
      %dma_start3A_150 = tpu.memref_slice %arg9[%run_scoped3A_108, %dma_start3A_148, %dma_start3A_149] : memref<2x64x384xi32, #tpu.memory_space<vmem>> -> memref<1x64x384xi32, #tpu.memory_space<vmem>>
      %dma_start3A_151 = tpu.memref_squeeze %dma_start3A_150 : memref<1x64x384xi32, #tpu.memory_space<vmem>> -> memref<64x384xi32, #tpu.memory_space<vmem>>
      tpu.enqueue_dma source(%dma_start3A_151 : memref<64x384xi32, #tpu.memory_space<vmem>>) target(%dma_start3A_147 : memref<64x384xi32, #tpu.memory_space<hbm>>) target_semaphore(%run_scoped3A_139 : memref<!tpu.dma_semaphore, #tpu.memory_space<semaphore_mem>>)
      %dma_wait3A_152 = arith.constant 0 : i32
      %dma_wait3A_153 = arith.constant 0 : i32
      %dma_wait3A_154 = tpu.memref_slice %arg9[%run_scoped3A_108, %dma_wait3A_152, %dma_wait3A_153] : memref<2x64x384xi32, #tpu.memory_space<vmem>> -> memref<1x64x384xi32, #tpu.memory_space<vmem>>
      %dma_wait3A_155 = tpu.memref_squeeze %dma_wait3A_154 : memref<1x64x384xi32, #tpu.memory_space<vmem>> -> memref<64x384xi32, #tpu.memory_space<vmem>>
      %dma_wait3A_156 = arith.constant 0 : i32
      %dma_wait3A_157 = tpu.memref_slice %arg6[%mul3A_107, %dma_wait3A_156] : memref<65536x384xi32, #tpu.memory_space<hbm>> -> memref<64x384xi32, #tpu.memory_space<hbm>>
      %dma_wait3A_158 = arith.constant 0 : i32
      %dma_wait3A_159 = tpu.memref_slice %arg6[%mul3A_107, %dma_wait3A_158] : memref<65536x384xi32, #tpu.memory_space<hbm>> -> memref<64x384xi32, #tpu.memory_space<hbm>>
      %dma_wait3A_160 = arith.constant 0 : i32
      %dma_wait3A_161 = arith.constant 0 : i32
      %dma_wait3A_162 = tpu.memref_slice %arg9[%run_scoped3A_108, %dma_wait3A_160, %dma_wait3A_161] : memref<2x64x384xi32, #tpu.memory_space<vmem>> -> memref<1x64x384xi32, #tpu.memory_space<vmem>>
      %dma_wait3A_163 = tpu.memref_squeeze %dma_wait3A_162 : memref<1x64x384xi32, #tpu.memory_space<vmem>> -> memref<64x384xi32, #tpu.memory_space<vmem>>
      tpu.wait_dma2 semaphore(%run_scoped3A_139 : memref<!tpu.dma_semaphore, #tpu.memory_space<semaphore_mem>>) src(%dma_wait3A_163 : memref<64x384xi32, #tpu.memory_space<vmem>>) dst(%dma_wait3A_159 : memref<64x384xi32, #tpu.memory_space<hbm>>)
      tpu.yield
    }) : () -> ()
    %dma_wait3A_109 = arith.constant 31 : i32
    %dma_wait3A_110 = arith.constant 1 : i32
    %dma_wait3A_111 = arith.constant 0 : i32
    %dma_wait3A_112 = arith.constant 0 : i32
    %dma_wait3A_113 = tpu.memref_slice %arg8[%dma_wait3A_110, %dma_wait3A_111, %dma_wait3A_112] : memref<2x64x384xi32, #tpu.memory_space<vmem>> -> memref<1x64x384xi32, #tpu.memory_space<vmem>>
    %dma_wait3A_114 = tpu.memref_squeeze %dma_wait3A_113 : memref<1x64x384xi32, #tpu.memory_space<vmem>> -> memref<64x384xi32, #tpu.memory_space<vmem>>
    %dma_wait3A_115 = arith.constant 0 : i32
    %dma_wait3A_116 = tpu.memref_slice %arg7[%dma_wait3A_109, %dma_wait3A_115] : memref<32x64xi32, #tpu.memory_space<vmem>> -> memref<1x64xi32, #tpu.memory_space<vmem>>
    %dma_wait3A_117 = tpu.memref_squeeze %dma_wait3A_116 : memref<1x64xi32, #tpu.memory_space<vmem>> -> memref<64xi32, #tpu.memory_space<vmem>>
    %dma_wait3A_118 = arith.constant 0 : i32
    %dma_wait3A_119 = arith.constant 0 : i32
    %dma_wait3A_120 = tpu.memref_slice %arg2[%dma_wait3A_118, %dma_wait3A_119] : memref<4352x384xi32, #tpu.memory_space<hbm>> -> memref<4352x384xi32, #tpu.memory_space<hbm>>
    tpu.wait_indirect_dma semaphore(%arg11 : memref<!tpu.dma_semaphore, #tpu.memory_space<semaphore_mem>>) src(%dma_wait3A_120 : memref<4352x384xi32, #tpu.memory_space<hbm>>) dst(%dma_wait3A_114 : memref<64x384xi32, #tpu.memory_space<vmem>>)
    %dma_wait3A_121 = arith.constant 31 : i32
    %dma_wait3A_122 = arith.constant 1 : i32
    %dma_wait3A_123 = arith.constant 0 : i32
    %dma_wait3A_124 = arith.constant 0 : i32
    %dma_wait3A_125 = tpu.memref_slice %arg9[%dma_wait3A_122, %dma_wait3A_123, %dma_wait3A_124] : memref<2x64x384xi32, #tpu.memory_space<vmem>> -> memref<1x64x384xi32, #tpu.memory_space<vmem>>
    %dma_wait3A_126 = tpu.memref_squeeze %dma_wait3A_125 : memref<1x64x384xi32, #tpu.memory_space<vmem>> -> memref<64x384xi32, #tpu.memory_space<vmem>>
    %dma_wait3A_127 = arith.constant 0 : i32
    %dma_wait3A_128 = tpu.memref_slice %arg7[%dma_wait3A_121, %dma_wait3A_127] : memref<32x64xi32, #tpu.memory_space<vmem>> -> memref<1x64xi32, #tpu.memory_space<vmem>>
    %dma_wait3A_129 = tpu.memref_squeeze %dma_wait3A_128 : memref<1x64xi32, #tpu.memory_space<vmem>> -> memref<64xi32, #tpu.memory_space<vmem>>
    %dma_wait3A_130 = arith.constant 0 : i32
    %dma_wait3A_131 = arith.constant 0 : i32
    %dma_wait3A_132 = tpu.memref_slice %arg3[%dma_wait3A_130, %dma_wait3A_131] : memref<4352x384xi32, #tpu.memory_space<hbm>> -> memref<4352x384xi32, #tpu.memory_space<hbm>>
    tpu.wait_indirect_dma semaphore(%arg13 : memref<!tpu.dma_semaphore, #tpu.memory_space<semaphore_mem>>) src(%dma_wait3A_132 : memref<4352x384xi32, #tpu.memory_space<hbm>>) dst(%dma_wait3A_126 : memref<64x384xi32, #tpu.memory_space<vmem>>)
    %add3A_133 = arith.constant 31 : i32
    %add3A_134 = arith.addi %mul3A_22, %add3A_133 : i32
    %mul3A_135 = arith.constant 64 : i32
    %mul3A_136 = arith.muli %add3A_134, %mul3A_135 : i32
    %run_scoped3A_137 = arith.constant 1 : i32
    "tpu.region"() ({
      %run_scoped3A_139 = tpu.sem_alloc : memref<!tpu.dma_semaphore, #tpu.memory_space<semaphore_mem>>
      %dma_start3A_140 = arith.constant 0 : i32
      %dma_start3A_141 = arith.constant 0 : i32
      %dma_start3A_142 = tpu.memref_slice %arg8[%run_scoped3A_137, %dma_start3A_140, %dma_start3A_141] : memref<2x64x384xi32, #tpu.memory_space<vmem>> -> memref<1x64x384xi32, #tpu.memory_space<vmem>>
      %dma_start3A_143 = tpu.memref_squeeze %dma_start3A_142 : memref<1x64x384xi32, #tpu.memory_space<vmem>> -> memref<64x384xi32, #tpu.memory_space<vmem>>
      %dma_start3A_144 = arith.constant 0 : i32
      %dma_start3A_145 = tpu.memref_slice %arg5[%mul3A_136, %dma_start3A_144] : memref<65536x384xi32, #tpu.memory_space<hbm>> -> memref<64x384xi32, #tpu.memory_space<hbm>>
      %dma_start3A_146 = arith.constant 0 : i32
      %dma_start3A_147 = tpu.memref_slice %arg5[%mul3A_136, %dma_start3A_146] : memref<65536x384xi32, #tpu.memory_space<hbm>> -> memref<64x384xi32, #tpu.memory_space<hbm>>
      %dma_start3A_148 = arith.constant 0 : i32
      %dma_start3A_149 = arith.constant 0 : i32
      %dma_start3A_150 = tpu.memref_slice %arg8[%run_scoped3A_137, %dma_start3A_148, %dma_start3A_149] : memref<2x64x384xi32, #tpu.memory_space<vmem>> -> memref<1x64x384xi32, #tpu.memory_space<vmem>>
      %dma_start3A_151 = tpu.memref_squeeze %dma_start3A_150 : memref<1x64x384xi32, #tpu.memory_space<vmem>> -> memref<64x384xi32, #tpu.memory_space<vmem>>
      tpu.enqueue_dma source(%dma_start3A_151 : memref<64x384xi32, #tpu.memory_space<vmem>>) target(%dma_start3A_147 : memref<64x384xi32, #tpu.memory_space<hbm>>) target_semaphore(%run_scoped3A_139 : memref<!tpu.dma_semaphore, #tpu.memory_space<semaphore_mem>>)
      %dma_wait3A_152 = arith.constant 0 : i32
      %dma_wait3A_153 = arith.constant 0 : i32
      %dma_wait3A_154 = tpu.memref_slice %arg8[%run_scoped3A_137, %dma_wait3A_152, %dma_wait3A_153] : memref<2x64x384xi32, #tpu.memory_space<vmem>> -> memref<1x64x384xi32, #tpu.memory_space<vmem>>
      %dma_wait3A_155 = tpu.memref_squeeze %dma_wait3A_154 : memref<1x64x384xi32, #tpu.memory_space<vmem>> -> memref<64x384xi32, #tpu.memory_space<vmem>>
      %dma_wait3A_156 = arith.constant 0 : i32
      %dma_wait3A_157 = tpu.memref_slice %arg5[%mul3A_136, %dma_wait3A_156] : memref<65536x384xi32, #tpu.memory_space<hbm>> -> memref<64x384xi32, #tpu.memory_space<hbm>>
      %dma_wait3A_158 = arith.constant 0 : i32
      %dma_wait3A_159 = tpu.memref_slice %arg5[%mul3A_136, %dma_wait3A_158] : memref<65536x384xi32, #tpu.memory_space<hbm>> -> memref<64x384xi32, #tpu.memory_space<hbm>>
      %dma_wait3A_160 = arith.constant 0 : i32
      %dma_wait3A_161 = arith.constant 0 : i32
      %dma_wait3A_162 = tpu.memref_slice %arg8[%run_scoped3A_137, %dma_wait3A_160, %dma_wait3A_161] : memref<2x64x384xi32, #tpu.memory_space<vmem>> -> memref<1x64x384xi32, #tpu.memory_space<vmem>>
      %dma_wait3A_163 = tpu.memref_squeeze %dma_wait3A_162 : memref<1x64x384xi32, #tpu.memory_space<vmem>> -> memref<64x384xi32, #tpu.memory_space<vmem>>
      tpu.wait_dma2 semaphore(%run_scoped3A_139 : memref<!tpu.dma_semaphore, #tpu.memory_space<semaphore_mem>>) src(%dma_wait3A_163 : memref<64x384xi32, #tpu.memory_space<vmem>>) dst(%dma_wait3A_159 : memref<64x384xi32, #tpu.memory_space<hbm>>)
      tpu.yield
    }) : () -> ()
    %run_scoped3A_138 = arith.constant 1 : i32
    "tpu.region"() ({
      %run_scoped3A_139 = tpu.sem_alloc : memref<!tpu.dma_semaphore, #tpu.memory_space<semaphore_mem>>
      %dma_start3A_140 = arith.constant 0 : i32
      %dma_start3A_141 = arith.constant 0 : i32
      %dma_start3A_142 = tpu.memref_slice %arg9[%run_scoped3A_138, %dma_start3A_140, %dma_start3A_141] : memref<2x64x384xi32, #tpu.memory_space<vmem>> -> memref<1x64x384xi32, #tpu.memory_space<vmem>>
      %dma_start3A_143 = tpu.memref_squeeze %dma_start3A_142 : memref<1x64x384xi32, #tpu.memory_space<vmem>> -> memref<64x384xi32, #tpu.memory_space<vmem>>
      %dma_start3A_144 = arith.constant 0 : i32
      %dma_start3A_145 = tpu.memref_slice %arg6[%mul3A_136, %dma_start3A_144] : memref<65536x384xi32, #tpu.memory_space<hbm>> -> memref<64x384xi32, #tpu.memory_space<hbm>>
      %dma_start3A_146 = arith.constant 0 : i32
      %dma_start3A_147 = tpu.memref_slice %arg6[%mul3A_136, %dma_start3A_146] : memref<65536x384xi32, #tpu.memory_space<hbm>> -> memref<64x384xi32, #tpu.memory_space<hbm>>
      %dma_start3A_148 = arith.constant 0 : i32
      %dma_start3A_149 = arith.constant 0 : i32
      %dma_start3A_150 = tpu.memref_slice %arg9[%run_scoped3A_138, %dma_start3A_148, %dma_start3A_149] : memref<2x64x384xi32, #tpu.memory_space<vmem>> -> memref<1x64x384xi32, #tpu.memory_space<vmem>>
      %dma_start3A_151 = tpu.memref_squeeze %dma_start3A_150 : memref<1x64x384xi32, #tpu.memory_space<vmem>> -> memref<64x384xi32, #tpu.memory_space<vmem>>
      tpu.enqueue_dma source(%dma_start3A_151 : memref<64x384xi32, #tpu.memory_space<vmem>>) target(%dma_start3A_147 : memref<64x384xi32, #tpu.memory_space<hbm>>) target_semaphore(%run_scoped3A_139 : memref<!tpu.dma_semaphore, #tpu.memory_space<semaphore_mem>>)
      %dma_wait3A_152 = arith.constant 0 : i32
      %dma_wait3A_153 = arith.constant 0 : i32
      %dma_wait3A_154 = tpu.memref_slice %arg9[%run_scoped3A_138, %dma_wait3A_152, %dma_wait3A_153] : memref<2x64x384xi32, #tpu.memory_space<vmem>> -> memref<1x64x384xi32, #tpu.memory_space<vmem>>
      %dma_wait3A_155 = tpu.memref_squeeze %dma_wait3A_154 : memref<1x64x384xi32, #tpu.memory_space<vmem>> -> memref<64x384xi32, #tpu.memory_space<vmem>>
      %dma_wait3A_156 = arith.constant 0 : i32
      %dma_wait3A_157 = tpu.memref_slice %arg6[%mul3A_136, %dma_wait3A_156] : memref<65536x384xi32, #tpu.memory_space<hbm>> -> memref<64x384xi32, #tpu.memory_space<hbm>>
      %dma_wait3A_158 = arith.constant 0 : i32
      %dma_wait3A_159 = tpu.memref_slice %arg6[%mul3A_136, %dma_wait3A_158] : memref<65536x384xi32, #tpu.memory_space<hbm>> -> memref<64x384xi32, #tpu.memory_space<hbm>>
      %dma_wait3A_160 = arith.constant 0 : i32
      %dma_wait3A_161 = arith.constant 0 : i32
      %dma_wait3A_162 = tpu.memref_slice %arg9[%run_scoped3A_138, %dma_wait3A_160, %dma_wait3A_161] : memref<2x64x384xi32, #tpu.memory_space<vmem>> -> memref<1x64x384xi32, #tpu.memory_space<vmem>>
      %dma_wait3A_163 = tpu.memref_squeeze %dma_wait3A_162 : memref<1x64x384xi32, #tpu.memory_space<vmem>> -> memref<64x384xi32, #tpu.memory_space<vmem>>
      tpu.wait_dma2 semaphore(%run_scoped3A_139 : memref<!tpu.dma_semaphore, #tpu.memory_space<semaphore_mem>>) src(%dma_wait3A_163 : memref<64x384xi32, #tpu.memory_space<vmem>>) dst(%dma_wait3A_159 : memref<64x384xi32, #tpu.memory_space<hbm>>)
      tpu.yield
    }) : () -> ()
    return
  }
}

module attributes {stable_mosaic.version = 14 : i64} {
  func.func @_proj_body(%arg0: i32, %arg1: i32, %arg2: memref<1x128x768xf32, #tpu.memory_space<vmem>>, %arg3: memref<768x768xf32, #tpu.memory_space<vmem>>, %arg4: memref<768x768xf32, #tpu.memory_space<vmem>>, %arg5: memref<768x768xf32, #tpu.memory_space<vmem>>, %arg6: memref<1x128x768xf32, #tpu.memory_space<vmem>>, %arg7: memref<1x128x384xi32, #tpu.memory_space<vmem>>, %arg8: memref<1x128x384xi32, #tpu.memory_space<vmem>>) attributes {dimension_semantics = [#tpu.dimension_semantics<arbitrary>, #tpu.dimension_semantics<arbitrary>], iteration_bounds = array<i64: 2, 17>, scalar_prefetch = 0 : i64, scratch_operands = 0 : i64, tpu.core_type = #tpu.core_type<tc>, window_params = [{transform_indices = @transform_0, window_bounds = array<i64: 1, 128, 768>}, {pipeline_mode = #tpu.pipeline_mode<synchronous>, transform_indices = @transform_1, window_bounds = array<i64: 768, 768>}, {pipeline_mode = #tpu.pipeline_mode<synchronous>, transform_indices = @transform_2, window_bounds = array<i64: 768, 768>}, {pipeline_mode = #tpu.pipeline_mode<synchronous>, transform_indices = @transform_3, window_bounds = array<i64: 768, 768>}, {transform_indices = @transform_4, window_bounds = array<i64: 1, 128, 768>}, {transform_indices = @transform_5, window_bounds = array<i64: 1, 128, 384>}, {transform_indices = @transform_6, window_bounds = array<i64: 1, 128, 384>}]} {
    %get3A = arith.constant 0 : index
    %get3A_0 = arith.constant 0 : index
    %get3A_1 = arith.constant 0 : index
    %get3A_2 = vector.load %arg2[%get3A, %get3A_0, %get3A_1] : memref<1x128x768xf32, #tpu.memory_space<vmem>>, vector<1x128x768xf32>
    %get3A_3 = vector.shape_cast %get3A_2 : vector<1x128x768xf32> to vector<128x768xf32>
    %get3A_4 = arith.constant 0 : index
    %get3A_5 = arith.constant 0 : index
    %get3A_6 = vector.load %arg3[%get3A_4, %get3A_5] : memref<768x768xf32, #tpu.memory_space<vmem>>, vector<768x768xf32>
    %dot_general3A = arith.constant dense<0.000000e+00> : vector<128x768xf32>
    %dot_general3A_7 = tpu.matmul %get3A_3, %get3A_6, %dot_general3A {dimension_numbers = #tpu.dot_dimension_numbers<[1], [0], [0], [1], [0, 0, 1, 1], [], []>, transpose_lhs_hint = false} : vector<128x768xf32>, vector<768x768xf32>, vector<128x768xf32> -> vector<128x768xf32>
    %swap3A = arith.constant 0 : index
    %swap3A_8 = arith.constant 0 : index
    %swap3A_9 = arith.constant 0 : index
    %swap3A_10 = vector.load %arg6[%swap3A, %swap3A_8, %swap3A_9] : memref<1x128x768xf32, #tpu.memory_space<vmem>>, vector<1x128x768xf32>
    %swap3A_11 = vector.shape_cast %swap3A_10 : vector<1x128x768xf32> to vector<128x768xf32>
    %swap3A_12 = vector.shape_cast %dot_general3A_7 : vector<128x768xf32> to vector<1x128x768xf32>
    tpu.vector_store %arg6[%swap3A, %swap3A_8, %swap3A_9], %swap3A_12 {strides = array<i32>} : memref<1x128x768xf32, #tpu.memory_space<vmem>>, vector<1x128x768xf32>,
    %get3A_13 = arith.constant 0 : index
    %get3A_14 = arith.constant 0 : index
    %get3A_15 = vector.load %arg4[%get3A_13, %get3A_14] : memref<768x768xf32, #tpu.memory_space<vmem>>, vector<768x768xf32>
    %dot_general3A_16 = arith.constant dense<0.000000e+00> : vector<128x768xf32>
    %dot_general3A_17 = tpu.matmul %get3A_3, %get3A_15, %dot_general3A_16 {dimension_numbers = #tpu.dot_dimension_numbers<[1], [0], [0], [1], [0, 0, 1, 1], [], []>, transpose_lhs_hint = false} : vector<128x768xf32>, vector<768x768xf32>, vector<128x768xf32> -> vector<128x768xf32>
    %get3A_18 = arith.constant 0 : index
    %get3A_19 = arith.constant 0 : index
    %get3A_20 = vector.load %arg5[%get3A_18, %get3A_19] : memref<768x768xf32, #tpu.memory_space<vmem>>, vector<768x768xf32>
    %dot_general3A_21 = arith.constant dense<0.000000e+00> : vector<128x768xf32>
    %dot_general3A_22 = tpu.matmul %get3A_3, %get3A_20, %dot_general3A_21 {dimension_numbers = #tpu.dot_dimension_numbers<[1], [0], [0], [1], [0, 0, 1, 1], [], []>, transpose_lhs_hint = false} : vector<128x768xf32>, vector<768x768xf32>, vector<128x768xf32> -> vector<128x768xf32>
    %slice3A = vector.extract_strided_slice %dot_general3A_17 {offsets = [0, 0], sizes = [128, 128], strides = [1, 1]} : vector<128x768xf32> to vector<128x128xf32>
    %slice3A_23 = vector.extract_strided_slice %dot_general3A_17 {offsets = [0, 128], sizes = [128, 128], strides = [1, 1]} : vector<128x768xf32> to vector<128x128xf32>
    %bitcast_convert_type3A = tpu.bitcast %slice3A : vector<128x128xf32> -> vector<128x128xi32>
    %bitcast_convert_type3A_24 = tpu.bitcast %slice3A_23 : vector<128x128xf32> -> vector<128x128xi32>
    %add3A = arith.constant 32767 : i32
    %add3A_25 = vector.broadcast %add3A : i32 to vector<128x128xi32>
    %add3A_26 = arith.addi %bitcast_convert_type3A, %add3A_25 : vector<128x128xi32>
    %shift_right_logical3A = arith.constant 16 : i32
    %shift_right_logical3A_27 = vector.broadcast %shift_right_logical3A : i32 to vector<128x128xi32>
    %shift_right_logical3A_28 = arith.shrui %bitcast_convert_type3A, %shift_right_logical3A_27 : vector<128x128xi32>
    %and3A = arith.constant 1 : i32
    %and3A_29 = vector.broadcast %and3A : i32 to vector<128x128xi32>
    %and3A_30 = arith.andi %shift_right_logical3A_28, %and3A_29 : vector<128x128xi32>
    %add3A_31 = arith.addi %add3A_26, %and3A_30 : vector<128x128xi32>
    %shift_right_logical3A_32 = arith.constant 16 : i32
    %shift_right_logical3A_33 = vector.broadcast %shift_right_logical3A_32 : i32 to vector<128x128xi32>
    %shift_right_logical3A_34 = arith.shrui %add3A_31, %shift_right_logical3A_33 : vector<128x128xi32>
    %add3A_35 = arith.constant 32767 : i32
    %add3A_36 = vector.broadcast %add3A_35 : i32 to vector<128x128xi32>
    %add3A_37 = arith.addi %bitcast_convert_type3A_24, %add3A_36 : vector<128x128xi32>
    %shift_right_logical3A_38 = arith.constant 16 : i32
    %shift_right_logical3A_39 = vector.broadcast %shift_right_logical3A_38 : i32 to vector<128x128xi32>
    %shift_right_logical3A_40 = arith.shrui %bitcast_convert_type3A_24, %shift_right_logical3A_39 : vector<128x128xi32>
    %and3A_41 = arith.constant 1 : i32
    %and3A_42 = vector.broadcast %and3A_41 : i32 to vector<128x128xi32>
    %and3A_43 = arith.andi %shift_right_logical3A_40, %and3A_42 : vector<128x128xi32>
    %add3A_44 = arith.addi %add3A_37, %and3A_43 : vector<128x128xi32>
    %shift_right_logical3A_45 = arith.constant 16 : i32
    %shift_right_logical3A_46 = vector.broadcast %shift_right_logical3A_45 : i32 to vector<128x128xi32>
    %shift_right_logical3A_47 = arith.shrui %add3A_44, %shift_right_logical3A_46 : vector<128x128xi32>
    %shift_left3A = arith.constant 16 : i32
    %shift_left3A_48 = vector.broadcast %shift_left3A : i32 to vector<128x128xi32>
    %shift_left3A_49 = arith.shli %shift_right_logical3A_47, %shift_left3A_48 : vector<128x128xi32>
    %or3A = arith.ori %shift_right_logical3A_34, %shift_left3A_49 : vector<128x128xi32>
    %swap3A_50 = arith.constant 0 : index
    %swap3A_51 = arith.constant 0 : index
    %swap3A_52 = arith.constant 0 : index
    %swap3A_53 = vector.load %arg7[%swap3A_50, %swap3A_51, %swap3A_52] : memref<1x128x384xi32, #tpu.memory_space<vmem>>, vector<1x128x128xi32>
    %swap3A_54 = vector.shape_cast %swap3A_53 : vector<1x128x128xi32> to vector<128x128xi32>
    %swap3A_55 = vector.shape_cast %or3A : vector<128x128xi32> to vector<1x128x128xi32>
    tpu.vector_store %arg7[%swap3A_50, %swap3A_51, %swap3A_52], %swap3A_55 {strides = array<i32>} : memref<1x128x384xi32, #tpu.memory_space<vmem>>, vector<1x128x128xi32>,
    %slice3A_56 = vector.extract_strided_slice %dot_general3A_22 {offsets = [0, 0], sizes = [128, 128], strides = [1, 1]} : vector<128x768xf32> to vector<128x128xf32>
    %slice3A_57 = vector.extract_strided_slice %dot_general3A_22 {offsets = [0, 128], sizes = [128, 128], strides = [1, 1]} : vector<128x768xf32> to vector<128x128xf32>
    %bitcast_convert_type3A_58 = tpu.bitcast %slice3A_56 : vector<128x128xf32> -> vector<128x128xi32>
    %bitcast_convert_type3A_59 = tpu.bitcast %slice3A_57 : vector<128x128xf32> -> vector<128x128xi32>
    %add3A_60 = arith.constant 32767 : i32
    %add3A_61 = vector.broadcast %add3A_60 : i32 to vector<128x128xi32>
    %add3A_62 = arith.addi %bitcast_convert_type3A_58, %add3A_61 : vector<128x128xi32>
    %shift_right_logical3A_63 = arith.constant 16 : i32
    %shift_right_logical3A_64 = vector.broadcast %shift_right_logical3A_63 : i32 to vector<128x128xi32>
    %shift_right_logical3A_65 = arith.shrui %bitcast_convert_type3A_58, %shift_right_logical3A_64 : vector<128x128xi32>
    %and3A_66 = arith.constant 1 : i32
    %and3A_67 = vector.broadcast %and3A_66 : i32 to vector<128x128xi32>
    %and3A_68 = arith.andi %shift_right_logical3A_65, %and3A_67 : vector<128x128xi32>
    %add3A_69 = arith.addi %add3A_62, %and3A_68 : vector<128x128xi32>
    %shift_right_logical3A_70 = arith.constant 16 : i32
    %shift_right_logical3A_71 = vector.broadcast %shift_right_logical3A_70 : i32 to vector<128x128xi32>
    %shift_right_logical3A_72 = arith.shrui %add3A_69, %shift_right_logical3A_71 : vector<128x128xi32>
    %add3A_73 = arith.constant 32767 : i32
    %add3A_74 = vector.broadcast %add3A_73 : i32 to vector<128x128xi32>
    %add3A_75 = arith.addi %bitcast_convert_type3A_59, %add3A_74 : vector<128x128xi32>
    %shift_right_logical3A_76 = arith.constant 16 : i32
    %shift_right_logical3A_77 = vector.broadcast %shift_right_logical3A_76 : i32 to vector<128x128xi32>
    %shift_right_logical3A_78 = arith.shrui %bitcast_convert_type3A_59, %shift_right_logical3A_77 : vector<128x128xi32>
    %and3A_79 = arith.constant 1 : i32
    %and3A_80 = vector.broadcast %and3A_79 : i32 to vector<128x128xi32>
    %and3A_81 = arith.andi %shift_right_logical3A_78, %and3A_80 : vector<128x128xi32>
    %add3A_82 = arith.addi %add3A_75, %and3A_81 : vector<128x128xi32>
    %shift_right_logical3A_83 = arith.constant 16 : i32
    %shift_right_logical3A_84 = vector.broadcast %shift_right_logical3A_83 : i32 to vector<128x128xi32>
    %shift_right_logical3A_85 = arith.shrui %add3A_82, %shift_right_logical3A_84 : vector<128x128xi32>
    %shift_left3A_86 = arith.constant 16 : i32
    %shift_left3A_87 = vector.broadcast %shift_left3A_86 : i32 to vector<128x128xi32>
    %shift_left3A_88 = arith.shli %shift_right_logical3A_85, %shift_left3A_87 : vector<128x128xi32>
    %or3A_89 = arith.ori %shift_right_logical3A_72, %shift_left3A_88 : vector<128x128xi32>
    %swap3A_90 = arith.constant 0 : index
    %swap3A_91 = arith.constant 0 : index
    %swap3A_92 = arith.constant 0 : index
    %swap3A_93 = vector.load %arg8[%swap3A_90, %swap3A_91, %swap3A_92] : memref<1x128x384xi32, #tpu.memory_space<vmem>>, vector<1x128x128xi32>
    %swap3A_94 = vector.shape_cast %swap3A_93 : vector<1x128x128xi32> to vector<128x128xi32>
    %swap3A_95 = vector.shape_cast %or3A_89 : vector<128x128xi32> to vector<1x128x128xi32>
    tpu.vector_store %arg8[%swap3A_90, %swap3A_91, %swap3A_92], %swap3A_95 {strides = array<i32>} : memref<1x128x384xi32, #tpu.memory_space<vmem>>, vector<1x128x128xi32>,
    %slice3A_96 = vector.extract_strided_slice %dot_general3A_17 {offsets = [0, 256], sizes = [128, 128], strides = [1, 1]} : vector<128x768xf32> to vector<128x128xf32>
    %slice3A_97 = vector.extract_strided_slice %dot_general3A_17 {offsets = [0, 384], sizes = [128, 128], strides = [1, 1]} : vector<128x768xf32> to vector<128x128xf32>
    %bitcast_convert_type3A_98 = tpu.bitcast %slice3A_96 : vector<128x128xf32> -> vector<128x128xi32>
    %bitcast_convert_type3A_99 = tpu.bitcast %slice3A_97 : vector<128x128xf32> -> vector<128x128xi32>
    %add3A_100 = arith.constant 32767 : i32
    %add3A_101 = vector.broadcast %add3A_100 : i32 to vector<128x128xi32>
    %add3A_102 = arith.addi %bitcast_convert_type3A_98, %add3A_101 : vector<128x128xi32>
    %shift_right_logical3A_103 = arith.constant 16 : i32
    %shift_right_logical3A_104 = vector.broadcast %shift_right_logical3A_103 : i32 to vector<128x128xi32>
    %shift_right_logical3A_105 = arith.shrui %bitcast_convert_type3A_98, %shift_right_logical3A_104 : vector<128x128xi32>
    %and3A_106 = arith.constant 1 : i32
    %and3A_107 = vector.broadcast %and3A_106 : i32 to vector<128x128xi32>
    %and3A_108 = arith.andi %shift_right_logical3A_105, %and3A_107 : vector<128x128xi32>
    %add3A_109 = arith.addi %add3A_102, %and3A_108 : vector<128x128xi32>
    %shift_right_logical3A_110 = arith.constant 16 : i32
    %shift_right_logical3A_111 = vector.broadcast %shift_right_logical3A_110 : i32 to vector<128x128xi32>
    %shift_right_logical3A_112 = arith.shrui %add3A_109, %shift_right_logical3A_111 : vector<128x128xi32>
    %add3A_113 = arith.constant 32767 : i32
    %add3A_114 = vector.broadcast %add3A_113 : i32 to vector<128x128xi32>
    %add3A_115 = arith.addi %bitcast_convert_type3A_99, %add3A_114 : vector<128x128xi32>
    %shift_right_logical3A_116 = arith.constant 16 : i32
    %shift_right_logical3A_117 = vector.broadcast %shift_right_logical3A_116 : i32 to vector<128x128xi32>
    %shift_right_logical3A_118 = arith.shrui %bitcast_convert_type3A_99, %shift_right_logical3A_117 : vector<128x128xi32>
    %and3A_119 = arith.constant 1 : i32
    %and3A_120 = vector.broadcast %and3A_119 : i32 to vector<128x128xi32>
    %and3A_121 = arith.andi %shift_right_logical3A_118, %and3A_120 : vector<128x128xi32>
    %add3A_122 = arith.addi %add3A_115, %and3A_121 : vector<128x128xi32>
    %shift_right_logical3A_123 = arith.constant 16 : i32
    %shift_right_logical3A_124 = vector.broadcast %shift_right_logical3A_123 : i32 to vector<128x128xi32>
    %shift_right_logical3A_125 = arith.shrui %add3A_122, %shift_right_logical3A_124 : vector<128x128xi32>
    %shift_left3A_126 = arith.constant 16 : i32
    %shift_left3A_127 = vector.broadcast %shift_left3A_126 : i32 to vector<128x128xi32>
    %shift_left3A_128 = arith.shli %shift_right_logical3A_125, %shift_left3A_127 : vector<128x128xi32>
    %or3A_129 = arith.ori %shift_right_logical3A_112, %shift_left3A_128 : vector<128x128xi32>
    %swap3A_130 = arith.constant 0 : index
    %swap3A_131 = arith.constant 0 : index
    %swap3A_132 = arith.constant 128 : index
    %swap3A_133 = vector.load %arg7[%swap3A_130, %swap3A_131, %swap3A_132] : memref<1x128x384xi32, #tpu.memory_space<vmem>>, vector<1x128x128xi32>
    %swap3A_134 = vector.shape_cast %swap3A_133 : vector<1x128x128xi32> to vector<128x128xi32>
    %swap3A_135 = vector.shape_cast %or3A_129 : vector<128x128xi32> to vector<1x128x128xi32>
    tpu.vector_store %arg7[%swap3A_130, %swap3A_131, %swap3A_132], %swap3A_135 {strides = array<i32>} : memref<1x128x384xi32, #tpu.memory_space<vmem>>, vector<1x128x128xi32>,
    %slice3A_136 = vector.extract_strided_slice %dot_general3A_22 {offsets = [0, 256], sizes = [128, 128], strides = [1, 1]} : vector<128x768xf32> to vector<128x128xf32>
    %slice3A_137 = vector.extract_strided_slice %dot_general3A_22 {offsets = [0, 384], sizes = [128, 128], strides = [1, 1]} : vector<128x768xf32> to vector<128x128xf32>
    %bitcast_convert_type3A_138 = tpu.bitcast %slice3A_136 : vector<128x128xf32> -> vector<128x128xi32>
    %bitcast_convert_type3A_139 = tpu.bitcast %slice3A_137 : vector<128x128xf32> -> vector<128x128xi32>
    %add3A_140 = arith.constant 32767 : i32
    %add3A_141 = vector.broadcast %add3A_140 : i32 to vector<128x128xi32>
    %add3A_142 = arith.addi %bitcast_convert_type3A_138, %add3A_141 : vector<128x128xi32>
    %shift_right_logical3A_143 = arith.constant 16 : i32
    %shift_right_logical3A_144 = vector.broadcast %shift_right_logical3A_143 : i32 to vector<128x128xi32>
    %shift_right_logical3A_145 = arith.shrui %bitcast_convert_type3A_138, %shift_right_logical3A_144 : vector<128x128xi32>
    %and3A_146 = arith.constant 1 : i32
    %and3A_147 = vector.broadcast %and3A_146 : i32 to vector<128x128xi32>
    %and3A_148 = arith.andi %shift_right_logical3A_145, %and3A_147 : vector<128x128xi32>
    %add3A_149 = arith.addi %add3A_142, %and3A_148 : vector<128x128xi32>
    %shift_right_logical3A_150 = arith.constant 16 : i32
    %shift_right_logical3A_151 = vector.broadcast %shift_right_logical3A_150 : i32 to vector<128x128xi32>
    %shift_right_logical3A_152 = arith.shrui %add3A_149, %shift_right_logical3A_151 : vector<128x128xi32>
    %add3A_153 = arith.constant 32767 : i32
    %add3A_154 = vector.broadcast %add3A_153 : i32 to vector<128x128xi32>
    %add3A_155 = arith.addi %bitcast_convert_type3A_139, %add3A_154 : vector<128x128xi32>
    %shift_right_logical3A_156 = arith.constant 16 : i32
    %shift_right_logical3A_157 = vector.broadcast %shift_right_logical3A_156 : i32 to vector<128x128xi32>
    %shift_right_logical3A_158 = arith.shrui %bitcast_convert_type3A_139, %shift_right_logical3A_157 : vector<128x128xi32>
    %and3A_159 = arith.constant 1 : i32
    %and3A_160 = vector.broadcast %and3A_159 : i32 to vector<128x128xi32>
    %and3A_161 = arith.andi %shift_right_logical3A_158, %and3A_160 : vector<128x128xi32>
    %add3A_162 = arith.addi %add3A_155, %and3A_161 : vector<128x128xi32>
    %shift_right_logical3A_163 = arith.constant 16 : i32
    %shift_right_logical3A_164 = vector.broadcast %shift_right_logical3A_163 : i32 to vector<128x128xi32>
    %shift_right_logical3A_165 = arith.shrui %add3A_162, %shift_right_logical3A_164 : vector<128x128xi32>
    %shift_left3A_166 = arith.constant 16 : i32
    %shift_left3A_167 = vector.broadcast %shift_left3A_166 : i32 to vector<128x128xi32>
    %shift_left3A_168 = arith.shli %shift_right_logical3A_165, %shift_left3A_167 : vector<128x128xi32>
    %or3A_169 = arith.ori %shift_right_logical3A_152, %shift_left3A_168 : vector<128x128xi32>
    %swap3A_170 = arith.constant 0 : index
    %swap3A_171 = arith.constant 0 : index
    %swap3A_172 = arith.constant 128 : index
    %swap3A_173 = vector.load %arg8[%swap3A_170, %swap3A_171, %swap3A_172] : memref<1x128x384xi32, #tpu.memory_space<vmem>>, vector<1x128x128xi32>
    %swap3A_174 = vector.shape_cast %swap3A_173 : vector<1x128x128xi32> to vector<128x128xi32>
    %swap3A_175 = vector.shape_cast %or3A_169 : vector<128x128xi32> to vector<1x128x128xi32>
    tpu.vector_store %arg8[%swap3A_170, %swap3A_171, %swap3A_172], %swap3A_175 {strides = array<i32>} : memref<1x128x384xi32, #tpu.memory_space<vmem>>, vector<1x128x128xi32>,
    %slice3A_176 = vector.extract_strided_slice %dot_general3A_17 {offsets = [0, 512], sizes = [128, 128], strides = [1, 1]} : vector<128x768xf32> to vector<128x128xf32>
    %slice3A_177 = vector.extract_strided_slice %dot_general3A_17 {offsets = [0, 640], sizes = [128, 128], strides = [1, 1]} : vector<128x768xf32> to vector<128x128xf32>
    %bitcast_convert_type3A_178 = tpu.bitcast %slice3A_176 : vector<128x128xf32> -> vector<128x128xi32>
    %bitcast_convert_type3A_179 = tpu.bitcast %slice3A_177 : vector<128x128xf32> -> vector<128x128xi32>
    %add3A_180 = arith.constant 32767 : i32
    %add3A_181 = vector.broadcast %add3A_180 : i32 to vector<128x128xi32>
    %add3A_182 = arith.addi %bitcast_convert_type3A_178, %add3A_181 : vector<128x128xi32>
    %shift_right_logical3A_183 = arith.constant 16 : i32
    %shift_right_logical3A_184 = vector.broadcast %shift_right_logical3A_183 : i32 to vector<128x128xi32>
    %shift_right_logical3A_185 = arith.shrui %bitcast_convert_type3A_178, %shift_right_logical3A_184 : vector<128x128xi32>
    %and3A_186 = arith.constant 1 : i32
    %and3A_187 = vector.broadcast %and3A_186 : i32 to vector<128x128xi32>
    %and3A_188 = arith.andi %shift_right_logical3A_185, %and3A_187 : vector<128x128xi32>
    %add3A_189 = arith.addi %add3A_182, %and3A_188 : vector<128x128xi32>
    %shift_right_logical3A_190 = arith.constant 16 : i32
    %shift_right_logical3A_191 = vector.broadcast %shift_right_logical3A_190 : i32 to vector<128x128xi32>
    %shift_right_logical3A_192 = arith.shrui %add3A_189, %shift_right_logical3A_191 : vector<128x128xi32>
    %add3A_193 = arith.constant 32767 : i32
    %add3A_194 = vector.broadcast %add3A_193 : i32 to vector<128x128xi32>
    %add3A_195 = arith.addi %bitcast_convert_type3A_179, %add3A_194 : vector<128x128xi32>
    %shift_right_logical3A_196 = arith.constant 16 : i32
    %shift_right_logical3A_197 = vector.broadcast %shift_right_logical3A_196 : i32 to vector<128x128xi32>
    %shift_right_logical3A_198 = arith.shrui %bitcast_convert_type3A_179, %shift_right_logical3A_197 : vector<128x128xi32>
    %and3A_199 = arith.constant 1 : i32
    %and3A_200 = vector.broadcast %and3A_199 : i32 to vector<128x128xi32>
    %and3A_201 = arith.andi %shift_right_logical3A_198, %and3A_200 : vector<128x128xi32>
    %add3A_202 = arith.addi %add3A_195, %and3A_201 : vector<128x128xi32>
    %shift_right_logical3A_203 = arith.constant 16 : i32
    %shift_right_logical3A_204 = vector.broadcast %shift_right_logical3A_203 : i32 to vector<128x128xi32>
    %shift_right_logical3A_205 = arith.shrui %add3A_202, %shift_right_logical3A_204 : vector<128x128xi32>
    %shift_left3A_206 = arith.constant 16 : i32
    %shift_left3A_207 = vector.broadcast %shift_left3A_206 : i32 to vector<128x128xi32>
    %shift_left3A_208 = arith.shli %shift_right_logical3A_205, %shift_left3A_207 : vector<128x128xi32>
    %or3A_209 = arith.ori %shift_right_logical3A_192, %shift_left3A_208 : vector<128x128xi32>
    %swap3A_210 = arith.constant 0 : index
    %swap3A_211 = arith.constant 0 : index
    %swap3A_212 = arith.constant 256 : index
    %swap3A_213 = vector.load %arg7[%swap3A_210, %swap3A_211, %swap3A_212] : memref<1x128x384xi32, #tpu.memory_space<vmem>>, vector<1x128x128xi32>
    %swap3A_214 = vector.shape_cast %swap3A_213 : vector<1x128x128xi32> to vector<128x128xi32>
    %swap3A_215 = vector.shape_cast %or3A_209 : vector<128x128xi32> to vector<1x128x128xi32>
    tpu.vector_store %arg7[%swap3A_210, %swap3A_211, %swap3A_212], %swap3A_215 {strides = array<i32>} : memref<1x128x384xi32, #tpu.memory_space<vmem>>, vector<1x128x128xi32>,
    %slice3A_216 = vector.extract_strided_slice %dot_general3A_22 {offsets = [0, 512], sizes = [128, 128], strides = [1, 1]} : vector<128x768xf32> to vector<128x128xf32>
    %slice3A_217 = vector.extract_strided_slice %dot_general3A_22 {offsets = [0, 640], sizes = [128, 128], strides = [1, 1]} : vector<128x768xf32> to vector<128x128xf32>
    %bitcast_convert_type3A_218 = tpu.bitcast %slice3A_216 : vector<128x128xf32> -> vector<128x128xi32>
    %bitcast_convert_type3A_219 = tpu.bitcast %slice3A_217 : vector<128x128xf32> -> vector<128x128xi32>
    %add3A_220 = arith.constant 32767 : i32
    %add3A_221 = vector.broadcast %add3A_220 : i32 to vector<128x128xi32>
    %add3A_222 = arith.addi %bitcast_convert_type3A_218, %add3A_221 : vector<128x128xi32>
    %shift_right_logical3A_223 = arith.constant 16 : i32
    %shift_right_logical3A_224 = vector.broadcast %shift_right_logical3A_223 : i32 to vector<128x128xi32>
    %shift_right_logical3A_225 = arith.shrui %bitcast_convert_type3A_218, %shift_right_logical3A_224 : vector<128x128xi32>
    %and3A_226 = arith.constant 1 : i32
    %and3A_227 = vector.broadcast %and3A_226 : i32 to vector<128x128xi32>
    %and3A_228 = arith.andi %shift_right_logical3A_225, %and3A_227 : vector<128x128xi32>
    %add3A_229 = arith.addi %add3A_222, %and3A_228 : vector<128x128xi32>
    %shift_right_logical3A_230 = arith.constant 16 : i32
    %shift_right_logical3A_231 = vector.broadcast %shift_right_logical3A_230 : i32 to vector<128x128xi32>
    %shift_right_logical3A_232 = arith.shrui %add3A_229, %shift_right_logical3A_231 : vector<128x128xi32>
    %add3A_233 = arith.constant 32767 : i32
    %add3A_234 = vector.broadcast %add3A_233 : i32 to vector<128x128xi32>
    %add3A_235 = arith.addi %bitcast_convert_type3A_219, %add3A_234 : vector<128x128xi32>
    %shift_right_logical3A_236 = arith.constant 16 : i32
    %shift_right_logical3A_237 = vector.broadcast %shift_right_logical3A_236 : i32 to vector<128x128xi32>
    %shift_right_logical3A_238 = arith.shrui %bitcast_convert_type3A_219, %shift_right_logical3A_237 : vector<128x128xi32>
    %and3A_239 = arith.constant 1 : i32
    %and3A_240 = vector.broadcast %and3A_239 : i32 to vector<128x128xi32>
    %and3A_241 = arith.andi %shift_right_logical3A_238, %and3A_240 : vector<128x128xi32>
    %add3A_242 = arith.addi %add3A_235, %and3A_241 : vector<128x128xi32>
    %shift_right_logical3A_243 = arith.constant 16 : i32
    %shift_right_logical3A_244 = vector.broadcast %shift_right_logical3A_243 : i32 to vector<128x128xi32>
    %shift_right_logical3A_245 = arith.shrui %add3A_242, %shift_right_logical3A_244 : vector<128x128xi32>
    %shift_left3A_246 = arith.constant 16 : i32
    %shift_left3A_247 = vector.broadcast %shift_left3A_246 : i32 to vector<128x128xi32>
    %shift_left3A_248 = arith.shli %shift_right_logical3A_245, %shift_left3A_247 : vector<128x128xi32>
    %or3A_249 = arith.ori %shift_right_logical3A_232, %shift_left3A_248 : vector<128x128xi32>
    %swap3A_250 = arith.constant 0 : index
    %swap3A_251 = arith.constant 0 : index
    %swap3A_252 = arith.constant 256 : index
    %swap3A_253 = vector.load %arg8[%swap3A_250, %swap3A_251, %swap3A_252] : memref<1x128x384xi32, #tpu.memory_space<vmem>>, vector<1x128x128xi32>
    %swap3A_254 = vector.shape_cast %swap3A_253 : vector<1x128x128xi32> to vector<128x128xi32>
    %swap3A_255 = vector.shape_cast %or3A_249 : vector<128x128xi32> to vector<1x128x128xi32>
    tpu.vector_store %arg8[%swap3A_250, %swap3A_251, %swap3A_252], %swap3A_255 {strides = array<i32>} : memref<1x128x384xi32, #tpu.memory_space<vmem>>, vector<1x128x128xi32>,
    return
  }
  func.func @transform_0(%arg0: i32, %arg1: i32) -> (i32, i32, i32) {
    %c0_i32 = arith.constant 0 : i32
    %c0_i32_0 = arith.constant 0 : i32
    return %arg0, %arg1, %c0_i32 : i32, i32, i32
  }
  func.func @transform_1(%arg0: i32, %arg1: i32) -> (i32, i32) {
    %c0_i32 = arith.constant 0 : i32
    %c0_i32_0 = arith.constant 0 : i32
    %c0_i32_1 = arith.constant 0 : i32
    return %c0_i32, %c0_i32_0 : i32, i32
  }
  func.func @transform_2(%arg0: i32, %arg1: i32) -> (i32, i32) {
    %c0_i32 = arith.constant 0 : i32
    %c0_i32_0 = arith.constant 0 : i32
    %c0_i32_1 = arith.constant 0 : i32
    return %c0_i32, %c0_i32_0 : i32, i32
  }
  func.func @transform_3(%arg0: i32, %arg1: i32) -> (i32, i32) {
    %c0_i32 = arith.constant 0 : i32
    %c0_i32_0 = arith.constant 0 : i32
    %c0_i32_1 = arith.constant 0 : i32
    return %c0_i32, %c0_i32_0 : i32, i32
  }
  func.func @transform_4(%arg0: i32, %arg1: i32) -> (i32, i32, i32) {
    %c0_i32 = arith.constant 0 : i32
    %c0_i32_0 = arith.constant 0 : i32
    return %arg0, %arg1, %c0_i32 : i32, i32, i32
  }
  func.func @transform_5(%arg0: i32, %arg1: i32) -> (i32, i32, i32) {
    %c0_i32 = arith.constant 0 : i32
    %c0_i32_0 = arith.constant 0 : i32
    return %arg0, %arg1, %c0_i32 : i32, i32, i32
  }
  func.func @transform_6(%arg0: i32, %arg1: i32) -> (i32, i32, i32) {
    %c0_i32 = arith.constant 0 : i32
    %c0_i32_0 = arith.constant 0 : i32
    return %arg0, %arg1, %c0_i32 : i32, i32, i32
  }
}

module attributes {stable_mosaic.version = 14 : i64} {
  func.func @_attn_body(%arg0: i32, %arg1: i32, %arg2: memref<1x256x768xf32, #tpu.memory_space<vmem>>, %arg3: memref<1x4096x384xi32, #tpu.memory_space<vmem>>, %arg4: memref<1x4096x384xi32, #tpu.memory_space<vmem>>, %arg5: memref<1x256x384xi32, #tpu.memory_space<vmem>>, %arg6: memref<1x256x384xi32, #tpu.memory_space<vmem>>, %arg7: memref<1x8x384xi32, #tpu.memory_space<vmem>>, %arg8: memref<1x8x384xi32, #tpu.memory_space<vmem>>, %arg9: memref<1x256x16xf32, #tpu.memory_space<vmem>>, %arg10: memref<8x128xf32, #tpu.memory_space<vmem>>, %arg11: memref<768x768xf32, #tpu.memory_space<vmem>>, %arg12: memref<8x768xf32, #tpu.memory_space<vmem>>, %arg13: memref<1x256x768xf32, #tpu.memory_space<vmem>>) attributes {dimension_semantics = [#tpu.dimension_semantics<arbitrary>, #tpu.dimension_semantics<arbitrary>], iteration_bounds = array<i64: 2, 8>, scalar_prefetch = 0 : i64, scratch_operands = 0 : i64, tpu.core_type = #tpu.core_type<tc>, window_params = [{transform_indices = @transform_0, window_bounds = array<i64: 1, 256, 768>}, {transform_indices = @transform_1, window_bounds = array<i64: 1, 4096, 384>}, {transform_indices = @transform_2, window_bounds = array<i64: 1, 4096, 384>}, {transform_indices = @transform_3, window_bounds = array<i64: 1, 256, 384>}, {transform_indices = @transform_4, window_bounds = array<i64: 1, 256, 384>}, {transform_indices = @transform_5, window_bounds = array<i64: 1, 8, 384>}, {transform_indices = @transform_6, window_bounds = array<i64: 1, 8, 384>}, {transform_indices = @transform_7, window_bounds = array<i64: 1, 256, 16>}, {pipeline_mode = #tpu.pipeline_mode<synchronous>, transform_indices = @transform_8, window_bounds = array<i64: 8, 128>}, {pipeline_mode = #tpu.pipeline_mode<synchronous>, transform_indices = @transform_9, window_bounds = array<i64: 768, 768>}, {pipeline_mode = #tpu.pipeline_mode<synchronous>, transform_indices = @transform_10, window_bounds = array<i64: 8, 768>}, {transform_indices = @transform_11, window_bounds = array<i64: 1, 256, 768>}]} {
    %get3A = arith.constant 0 : index
    %get3A_0 = arith.constant 0 : index
    %get3A_1 = arith.constant 0 : index
    %get3A_2 = vector.load %arg2[%get3A, %get3A_0, %get3A_1] : memref<1x256x768xf32, #tpu.memory_space<vmem>>, vector<1x256x768xf32>
    %get3A_3 = vector.shape_cast %get3A_2 : vector<1x256x768xf32> to vector<256x768xf32>
    %mul3A = arith.constant 1.250000e-01 : f32
    %mul3A_4 = vector.broadcast %mul3A : f32 to vector<256x768xf32>
    %mul3A_5 = arith.mulf %get3A_3, %mul3A_4 : vector<256x768xf32>
    %get3A_6 = arith.constant 0 : index
    %get3A_7 = arith.constant 0 : index
    %get3A_8 = arith.constant 0 : index
    %get3A_9 = vector.load %arg3[%get3A_6, %get3A_7, %get3A_8] : memref<1x4096x384xi32, #tpu.memory_space<vmem>>, vector<1x4096x128xi32>
    %get3A_10 = vector.shape_cast %get3A_9 : vector<1x4096x128xi32> to vector<4096x128xi32>
    %shift_left3A = arith.constant 16 : i32
    %shift_left3A_11 = vector.broadcast %shift_left3A : i32 to vector<4096x128xi32>
    %shift_left3A_12 = arith.shli %get3A_10, %shift_left3A_11 : vector<4096x128xi32>
    %bitcast_convert_type3A = tpu.bitcast %shift_left3A_12 : vector<4096x128xi32> -> vector<4096x128xf32>
    %and3A = arith.constant -65536 : i32
    %and3A_13 = vector.broadcast %and3A : i32 to vector<4096x128xi32>
    %and3A_14 = arith.andi %get3A_10, %and3A_13 : vector<4096x128xi32>
    %bitcast_convert_type3A_15 = tpu.bitcast %and3A_14 : vector<4096x128xi32> -> vector<4096x128xf32>
    %get3A_16 = arith.constant 0 : index
    %get3A_17 = arith.constant 0 : index
    %get3A_18 = arith.constant 128 : index
    %get3A_19 = vector.load %arg3[%get3A_16, %get3A_17, %get3A_18] : memref<1x4096x384xi32, #tpu.memory_space<vmem>>, vector<1x4096x128xi32>
    %get3A_20 = vector.shape_cast %get3A_19 : vector<1x4096x128xi32> to vector<4096x128xi32>
    %shift_left3A_21 = arith.constant 16 : i32
    %shift_left3A_22 = vector.broadcast %shift_left3A_21 : i32 to vector<4096x128xi32>
    %shift_left3A_23 = arith.shli %get3A_20, %shift_left3A_22 : vector<4096x128xi32>
    %bitcast_convert_type3A_24 = tpu.bitcast %shift_left3A_23 : vector<4096x128xi32> -> vector<4096x128xf32>
    %and3A_25 = arith.constant -65536 : i32
    %and3A_26 = vector.broadcast %and3A_25 : i32 to vector<4096x128xi32>
    %and3A_27 = arith.andi %get3A_20, %and3A_26 : vector<4096x128xi32>
    %bitcast_convert_type3A_28 = tpu.bitcast %and3A_27 : vector<4096x128xi32> -> vector<4096x128xf32>
    %get3A_29 = arith.constant 0 : index
    %get3A_30 = arith.constant 0 : index
    %get3A_31 = arith.constant 256 : index
    %get3A_32 = vector.load %arg3[%get3A_29, %get3A_30, %get3A_31] : memref<1x4096x384xi32, #tpu.memory_space<vmem>>, vector<1x4096x128xi32>
    %get3A_33 = vector.shape_cast %get3A_32 : vector<1x4096x128xi32> to vector<4096x128xi32>
    %shift_left3A_34 = arith.constant 16 : i32
    %shift_left3A_35 = vector.broadcast %shift_left3A_34 : i32 to vector<4096x128xi32>
    %shift_left3A_36 = arith.shli %get3A_33, %shift_left3A_35 : vector<4096x128xi32>
    %bitcast_convert_type3A_37 = tpu.bitcast %shift_left3A_36 : vector<4096x128xi32> -> vector<4096x128xf32>
    %and3A_38 = arith.constant -65536 : i32
    %and3A_39 = vector.broadcast %and3A_38 : i32 to vector<4096x128xi32>
    %and3A_40 = arith.andi %get3A_33, %and3A_39 : vector<4096x128xi32>
    %bitcast_convert_type3A_41 = tpu.bitcast %and3A_40 : vector<4096x128xi32> -> vector<4096x128xf32>
    %get3A_42 = arith.constant 0 : index
    %get3A_43 = arith.constant 0 : index
    %get3A_44 = arith.constant 0 : index
    %get3A_45 = vector.load %arg5[%get3A_42, %get3A_43, %get3A_44] : memref<1x256x384xi32, #tpu.memory_space<vmem>>, vector<1x256x128xi32>
    %get3A_46 = vector.shape_cast %get3A_45 : vector<1x256x128xi32> to vector<256x128xi32>
    %shift_left3A_47 = arith.constant 16 : i32
    %shift_left3A_48 = vector.broadcast %shift_left3A_47 : i32 to vector<256x128xi32>
    %shift_left3A_49 = arith.shli %get3A_46, %shift_left3A_48 : vector<256x128xi32>
    %bitcast_convert_type3A_50 = tpu.bitcast %shift_left3A_49 : vector<256x128xi32> -> vector<256x128xf32>
    %and3A_51 = arith.constant -65536 : i32
    %and3A_52 = vector.broadcast %and3A_51 : i32 to vector<256x128xi32>
    %and3A_53 = arith.andi %get3A_46, %and3A_52 : vector<256x128xi32>
    %bitcast_convert_type3A_54 = tpu.bitcast %and3A_53 : vector<256x128xi32> -> vector<256x128xf32>
    %get3A_55 = arith.constant 0 : index
    %get3A_56 = arith.constant 0 : index
    %get3A_57 = arith.constant 128 : index
    %get3A_58 = vector.load %arg5[%get3A_55, %get3A_56, %get3A_57] : memref<1x256x384xi32, #tpu.memory_space<vmem>>, vector<1x256x128xi32>
    %get3A_59 = vector.shape_cast %get3A_58 : vector<1x256x128xi32> to vector<256x128xi32>
    %shift_left3A_60 = arith.constant 16 : i32
    %shift_left3A_61 = vector.broadcast %shift_left3A_60 : i32 to vector<256x128xi32>
    %shift_left3A_62 = arith.shli %get3A_59, %shift_left3A_61 : vector<256x128xi32>
    %bitcast_convert_type3A_63 = tpu.bitcast %shift_left3A_62 : vector<256x128xi32> -> vector<256x128xf32>
    %and3A_64 = arith.constant -65536 : i32
    %and3A_65 = vector.broadcast %and3A_64 : i32 to vector<256x128xi32>
    %and3A_66 = arith.andi %get3A_59, %and3A_65 : vector<256x128xi32>
    %bitcast_convert_type3A_67 = tpu.bitcast %and3A_66 : vector<256x128xi32> -> vector<256x128xf32>
    %get3A_68 = arith.constant 0 : index
    %get3A_69 = arith.constant 0 : index
    %get3A_70 = arith.constant 256 : index
    %get3A_71 = vector.load %arg5[%get3A_68, %get3A_69, %get3A_70] : memref<1x256x384xi32, #tpu.memory_space<vmem>>, vector<1x256x128xi32>
    %get3A_72 = vector.shape_cast %get3A_71 : vector<1x256x128xi32> to vector<256x128xi32>
    %shift_left3A_73 = arith.constant 16 : i32
    %shift_left3A_74 = vector.broadcast %shift_left3A_73 : i32 to vector<256x128xi32>
    %shift_left3A_75 = arith.shli %get3A_72, %shift_left3A_74 : vector<256x128xi32>
    %bitcast_convert_type3A_76 = tpu.bitcast %shift_left3A_75 : vector<256x128xi32> -> vector<256x128xf32>
    %and3A_77 = arith.constant -65536 : i32
    %and3A_78 = vector.broadcast %and3A_77 : i32 to vector<256x128xi32>
    %and3A_79 = arith.andi %get3A_72, %and3A_78 : vector<256x128xi32>
    %bitcast_convert_type3A_80 = tpu.bitcast %and3A_79 : vector<256x128xi32> -> vector<256x128xf32>
    %get3A_81 = arith.constant 0 : index
    %get3A_82 = arith.constant 0 : index
    %get3A_83 = arith.constant 0 : index
    %get3A_84 = vector.load %arg7[%get3A_81, %get3A_82, %get3A_83] : memref<1x8x384xi32, #tpu.memory_space<vmem>>, vector<1x8x128xi32>
    %get3A_85 = vector.shape_cast %get3A_84 : vector<1x8x128xi32> to vector<8x128xi32>
    %shift_left3A_86 = arith.constant 16 : i32
    %shift_left3A_87 = vector.broadcast %shift_left3A_86 : i32 to vector<8x128xi32>
    %shift_left3A_88 = arith.shli %get3A_85, %shift_left3A_87 : vector<8x128xi32>
    %bitcast_convert_type3A_89 = tpu.bitcast %shift_left3A_88 : vector<8x128xi32> -> vector<8x128xf32>
    %and3A_90 = arith.constant -65536 : i32
    %and3A_91 = vector.broadcast %and3A_90 : i32 to vector<8x128xi32>
    %and3A_92 = arith.andi %get3A_85, %and3A_91 : vector<8x128xi32>
    %bitcast_convert_type3A_93 = tpu.bitcast %and3A_92 : vector<8x128xi32> -> vector<8x128xf32>
    %get3A_94 = arith.constant 0 : index
    %get3A_95 = arith.constant 0 : index
    %get3A_96 = arith.constant 128 : index
    %get3A_97 = vector.load %arg7[%get3A_94, %get3A_95, %get3A_96] : memref<1x8x384xi32, #tpu.memory_space<vmem>>, vector<1x8x128xi32>
    %get3A_98 = vector.shape_cast %get3A_97 : vector<1x8x128xi32> to vector<8x128xi32>
    %shift_left3A_99 = arith.constant 16 : i32
    %shift_left3A_100 = vector.broadcast %shift_left3A_99 : i32 to vector<8x128xi32>
    %shift_left3A_101 = arith.shli %get3A_98, %shift_left3A_100 : vector<8x128xi32>
    %bitcast_convert_type3A_102 = tpu.bitcast %shift_left3A_101 : vector<8x128xi32> -> vector<8x128xf32>
    %and3A_103 = arith.constant -65536 : i32
    %and3A_104 = vector.broadcast %and3A_103 : i32 to vector<8x128xi32>
    %and3A_105 = arith.andi %get3A_98, %and3A_104 : vector<8x128xi32>
    %bitcast_convert_type3A_106 = tpu.bitcast %and3A_105 : vector<8x128xi32> -> vector<8x128xf32>
    %get3A_107 = arith.constant 0 : index
    %get3A_108 = arith.constant 0 : index
    %get3A_109 = arith.constant 256 : index
    %get3A_110 = vector.load %arg7[%get3A_107, %get3A_108, %get3A_109] : memref<1x8x384xi32, #tpu.memory_space<vmem>>, vector<1x8x128xi32>
    %get3A_111 = vector.shape_cast %get3A_110 : vector<1x8x128xi32> to vector<8x128xi32>
    %shift_left3A_112 = arith.constant 16 : i32
    %shift_left3A_113 = vector.broadcast %shift_left3A_112 : i32 to vector<8x128xi32>
    %shift_left3A_114 = arith.shli %get3A_111, %shift_left3A_113 : vector<8x128xi32>
    %bitcast_convert_type3A_115 = tpu.bitcast %shift_left3A_114 : vector<8x128xi32> -> vector<8x128xf32>
    %and3A_116 = arith.constant -65536 : i32
    %and3A_117 = vector.broadcast %and3A_116 : i32 to vector<8x128xi32>
    %and3A_118 = arith.andi %get3A_111, %and3A_117 : vector<8x128xi32>
    %bitcast_convert_type3A_119 = tpu.bitcast %and3A_118 : vector<8x128xi32> -> vector<8x128xf32>
    %iota3A = tpu.iota {dimensions = array<i32: 0>} : vector<768x12xi32>
    %jit3A = arith.constant 64 : i32
    %div3A = vector.broadcast %jit3A : i32 to vector<768x12xi32>
    %div3A_120 = arith.divsi %iota3A, %div3A : vector<768x12xi32>
    %sign3A = arith.constant 0 : i32
    %sign3A_121 = vector.broadcast %sign3A : i32 to vector<768x12xi32>
    %sign3A_122 = arith.cmpi sgt, %iota3A, %sign3A_121 : vector<768x12xi32>
    %sign3A_123 = arith.extui %sign3A_122 : vector<768x12xi1> to vector<768x12xi32>
    %sign3A_124 = arith.constant 0 : i32
    %sign3A_125 = vector.broadcast %sign3A_124 : i32 to vector<768x12xi32>
    %sign3A_126 = arith.cmpi slt, %iota3A, %sign3A_125 : vector<768x12xi32>
    %sign3A_127 = arith.extui %sign3A_126 : vector<768x12xi1> to vector<768x12xi32>
    %sign3A_128 = arith.subi %sign3A_123, %sign3A_127 : vector<768x12xi32>
    %sign3A_129 = arith.constant 0 : i32
    %sign3A_130 = arith.cmpi sgt, %jit3A, %sign3A_129 : i32
    %sign3A_131 = arith.extui %sign3A_130 : i1 to i32
    %sign3A_132 = arith.constant 0 : i32
    %sign3A_133 = arith.cmpi slt, %jit3A, %sign3A_132 : i32
    %sign3A_134 = arith.extui %sign3A_133 : i1 to i32
    %sign3A_135 = arith.subi %sign3A_131, %sign3A_134 : i32
    %ne3A = vector.broadcast %sign3A_135 : i32 to vector<768x12xi32>
    %ne3A_136 = arith.cmpi ne, %sign3A_128, %ne3A : vector<768x12xi32>
    %rem3A = vector.broadcast %jit3A : i32 to vector<768x12xi32>
    %rem3A_137 = arith.remsi %iota3A, %rem3A : vector<768x12xi32>
    %ne3A_138 = arith.constant 0 : i32
    %ne3A_139 = vector.broadcast %ne3A_138 : i32 to vector<768x12xi32>
    %ne3A_140 = arith.cmpi ne, %rem3A_137, %ne3A_139 : vector<768x12xi32>
    %and3A_141 = arith.andi %ne3A_136, %ne3A_140 : vector<768x12xi1>
    %sub3A = arith.constant 1 : i32
    %sub3A_142 = vector.broadcast %sub3A : i32 to vector<768x12xi32>
    %sub3A_143 = arith.subi %div3A_120, %sub3A_142 : vector<768x12xi32>
    %select_n3A = arith.select %and3A_141, %sub3A_143, %div3A_120 : vector<768x12xi1>, vector<768x12xi32>
    %iota3A_144 = tpu.iota {dimensions = array<i32: 1>} : vector<768x12xi32>
    %eq3A = arith.cmpi eq, %select_n3A, %iota3A_144 : vector<768x12xi32>
    %convert_element_type3A = arith.extui %eq3A : vector<768x12xi1> to vector<768x12xi32>
    %convert_element_type3A_145 = arith.sitofp %convert_element_type3A : vector<768x12xi32> to vector<768x12xf32>
    %iota3A_146 = tpu.iota {dimensions = array<i32: 1>} : vector<12x768xi32>
    %jit3A_147 = arith.constant 64 : i32
    %div3A_148 = vector.broadcast %jit3A_147 : i32 to vector<12x768xi32>
    %div3A_149 = arith.divsi %iota3A_146, %div3A_148 : vector<12x768xi32>
    %sign3A_150 = arith.constant 0 : i32
    %sign3A_151 = vector.broadcast %sign3A_150 : i32 to vector<12x768xi32>
    %sign3A_152 = arith.cmpi sgt, %iota3A_146, %sign3A_151 : vector<12x768xi32>
    %sign3A_153 = arith.extui %sign3A_152 : vector<12x768xi1> to vector<12x768xi32>
    %sign3A_154 = arith.constant 0 : i32
    %sign3A_155 = vector.broadcast %sign3A_154 : i32 to vector<12x768xi32>
    %sign3A_156 = arith.cmpi slt, %iota3A_146, %sign3A_155 : vector<12x768xi32>
    %sign3A_157 = arith.extui %sign3A_156 : vector<12x768xi1> to vector<12x768xi32>
    %sign3A_158 = arith.subi %sign3A_153, %sign3A_157 : vector<12x768xi32>
    %sign3A_159 = arith.constant 0 : i32
    %sign3A_160 = arith.cmpi sgt, %jit3A_147, %sign3A_159 : i32
    %sign3A_161 = arith.extui %sign3A_160 : i1 to i32
    %sign3A_162 = arith.constant 0 : i32
    %sign3A_163 = arith.cmpi slt, %jit3A_147, %sign3A_162 : i32
    %sign3A_164 = arith.extui %sign3A_163 : i1 to i32
    %sign3A_165 = arith.subi %sign3A_161, %sign3A_164 : i32
    %ne3A_166 = vector.broadcast %sign3A_165 : i32 to vector<12x768xi32>
    %ne3A_167 = arith.cmpi ne, %sign3A_158, %ne3A_166 : vector<12x768xi32>
    %rem3A_168 = vector.broadcast %jit3A_147 : i32 to vector<12x768xi32>
    %rem3A_169 = arith.remsi %iota3A_146, %rem3A_168 : vector<12x768xi32>
    %ne3A_170 = arith.constant 0 : i32
    %ne3A_171 = vector.broadcast %ne3A_170 : i32 to vector<12x768xi32>
    %ne3A_172 = arith.cmpi ne, %rem3A_169, %ne3A_171 : vector<12x768xi32>
    %and3A_173 = arith.andi %ne3A_167, %ne3A_172 : vector<12x768xi1>
    %sub3A_174 = arith.constant 1 : i32
    %sub3A_175 = vector.broadcast %sub3A_174 : i32 to vector<12x768xi32>
    %sub3A_176 = arith.subi %div3A_149, %sub3A_175 : vector<12x768xi32>
    %select_n3A_177 = arith.select %and3A_173, %sub3A_176, %div3A_149 : vector<12x768xi1>, vector<12x768xi32>
    %iota3A_178 = tpu.iota {dimensions = array<i32: 0>} : vector<12x768xi32>
    %eq3A_179 = arith.cmpi eq, %select_n3A_177, %iota3A_178 : vector<12x768xi32>
    %convert_element_type3A_180 = arith.extui %eq3A_179 : vector<12x768xi1> to vector<12x768xi32>
    %convert_element_type3A_181 = arith.sitofp %convert_element_type3A_180 : vector<12x768xi32> to vector<12x768xf32>
    %concatenate3A = tpu.concatenate %bitcast_convert_type3A, %bitcast_convert_type3A_15, %bitcast_convert_type3A_24, %bitcast_convert_type3A_28, %bitcast_convert_type3A_37, %bitcast_convert_type3A_41 in 1 : vector<4096x128xf32>, vector<4096x128xf32>, vector<4096x128xf32>, vector<4096x128xf32>, vector<4096x128xf32>, vector<4096x128xf32> -> vector<4096x768xf32>
    %concatenate3A_182 = tpu.concatenate %bitcast_convert_type3A_50, %bitcast_convert_type3A_54, %bitcast_convert_type3A_63, %bitcast_convert_type3A_67, %bitcast_convert_type3A_76, %bitcast_convert_type3A_80 in 1 : vector<256x128xf32>, vector<256x128xf32>, vector<256x128xf32>, vector<256x128xf32>, vector<256x128xf32>, vector<256x128xf32> -> vector<256x768xf32>
    %broadcast_in_dim3A = vector.shape_cast %mul3A_5 : vector<256x768xf32> to vector<256x1x768xf32>
    %broadcast_in_dim3A_183 = vector.shape_cast %broadcast_in_dim3A : vector<256x1x768xf32> to vector<256x1x768xf32>
    %broadcast_in_dim3A_184 = vector.broadcast %broadcast_in_dim3A_183 : vector<256x1x768xf32> to vector<256x16x768xf32>
    %reshape3A = vector.shape_cast %broadcast_in_dim3A_184 : vector<256x16x768xf32> to vector<4096x768xf32>
    %mul3A_185 = arith.mulf %reshape3A, %concatenate3A : vector<4096x768xf32>
    %dot_general3A = arith.constant dense<0.000000e+00> : vector<4096x12xf32>
    %dot_general3A_186 = tpu.matmul %mul3A_185, %convert_element_type3A_145, %dot_general3A {dimension_numbers = #tpu.dot_dimension_numbers<[1], [0], [0], [1], [0, 0, 1, 1], [], []>, transpose_lhs_hint = false} : vector<4096x768xf32>, vector<768x12xf32>, vector<4096x12xf32> -> vector<4096x12xf32>
    %mul3A_187 = arith.mulf %mul3A_5, %concatenate3A_182 : vector<256x768xf32>
    %dot_general3A_188 = arith.constant dense<0.000000e+00> : vector<256x12xf32>
    %dot_general3A_189 = tpu.matmul %mul3A_187, %convert_element_type3A_145, %dot_general3A_188 {dimension_numbers = #tpu.dot_dimension_numbers<[1], [0], [0], [1], [0, 0, 1, 1], [], []>, transpose_lhs_hint = false} : vector<256x768xf32>, vector<768x12xf32>, vector<256x12xf32> -> vector<256x12xf32>
    %concatenate3A_190 = tpu.concatenate %bitcast_convert_type3A_89, %bitcast_convert_type3A_93, %bitcast_convert_type3A_102, %bitcast_convert_type3A_106, %bitcast_convert_type3A_115, %bitcast_convert_type3A_119 in 1 : vector<8x128xf32>, vector<8x128xf32>, vector<8x128xf32>, vector<8x128xf32>, vector<8x128xf32>, vector<8x128xf32> -> vector<8x768xf32>
    %broadcast_in_dim3A_191 = vector.shape_cast %concatenate3A_190 : vector<8x768xf32> to vector<8x1x768xf32>
    %broadcast_in_dim3A_192 = vector.shape_cast %broadcast_in_dim3A_191 : vector<8x1x768xf32> to vector<8x1x768xf32>
    %broadcast_in_dim3A_193 = vector.broadcast %broadcast_in_dim3A_192 : vector<8x1x768xf32> to vector<8x12x768xf32>
    %broadcast_in_dim3A_194 = vector.shape_cast %convert_element_type3A_181 : vector<12x768xf32> to vector<1x12x768xf32>
    %mul3A_195 = vector.broadcast %broadcast_in_dim3A_194 : vector<1x12x768xf32> to vector<8x12x768xf32>
    %mul3A_196 = arith.mulf %broadcast_in_dim3A_193, %mul3A_195 : vector<8x12x768xf32>
    %reshape3A_197 = vector.shape_cast %mul3A_196 : vector<8x12x768xf32> to vector<96x768xf32>
    %dot_general3A_198 = arith.constant dense<0.000000e+00> : vector<256x96xf32>
    %dot_general3A_199 = tpu.matmul %mul3A_5, %reshape3A_197, %dot_general3A_198 {dimension_numbers = #tpu.dot_dimension_numbers<[1], [1], [0], [0], [0, 0, 1, 0], [], []>, transpose_lhs_hint = false} : vector<256x768xf32>, vector<96x768xf32>, vector<256x96xf32> -> vector<256x96xf32>
    %get3A_200 = arith.constant 0 : index
    %get3A_201 = arith.constant 0 : index
    %get3A_202 = vector.load %arg10[%get3A_200, %get3A_201] : memref<8x128xf32, #tpu.memory_space<vmem>>, vector<1x12xf32>
    %reshape3A_203 = vector.shape_cast %get3A_202 : vector<1x12xf32> to vector<1x1x12xf32>
    %get3A_204 = arith.constant 1 : index
    %get3A_205 = arith.constant 0 : index
    %get3A_206 = vector.load %arg10[%get3A_204, %get3A_205] : memref<8x128xf32, #tpu.memory_space<vmem>>, vector<1x1xf32>
    %get3A_207 = arith.constant 0 : index
    %get3A_208 = arith.constant 0 : index
    %get3A_209 = arith.constant 0 : index
    %get3A_210 = vector.load %arg9[%get3A_207, %get3A_208, %get3A_209] : memref<1x256x16xf32, #tpu.memory_space<vmem>>, vector<1x256x16xf32>
    %get3A_211 = vector.shape_cast %get3A_210 : vector<1x256x16xf32> to vector<256x16xf32>
    %reshape3A_212 = vector.shape_cast %dot_general3A_186 : vector<4096x12xf32> to vector<256x16x12xf32>
    %mul3A_213 = arith.mulf %get3A_211, %get3A_211 : vector<256x16xf32>
    %broadcast_in_dim3A_214 = vector.shape_cast %mul3A_213 : vector<256x16xf32> to vector<256x16x1xf32>
    %mul3A_215 = vector.broadcast %broadcast_in_dim3A_214 : vector<256x16x1xf32> to vector<256x16x12xf32>
    %mul3A_216 = vector.broadcast %reshape3A_203 : vector<1x1x12xf32> to vector<256x16x12xf32>
    %mul3A_217 = arith.mulf %mul3A_215, %mul3A_216 : vector<256x16x12xf32>
    %add3A = arith.addf %reshape3A_212, %mul3A_217 : vector<256x16x12xf32>
    %add3A_218 = vector.broadcast %get3A_206 : vector<1x1xf32> to vector<256x96xf32>
    %add3A_219 = arith.addf %dot_general3A_199, %add3A_218 : vector<256x96xf32>
    %slice3A = vector.extract_strided_slice %add3A_219 {offsets = [0, 0], sizes = [256, 12], strides = [1, 1]} : vector<256x96xf32> to vector<256x12xf32>
    %slice3A_220 = vector.extract_strided_slice %add3A_219 {offsets = [0, 12], sizes = [256, 12], strides = [1, 1]} : vector<256x96xf32> to vector<256x12xf32>
    %slice3A_221 = vector.extract_strided_slice %add3A_219 {offsets = [0, 24], sizes = [256, 12], strides = [1, 1]} : vector<256x96xf32> to vector<256x12xf32>
    %slice3A_222 = vector.extract_strided_slice %add3A_219 {offsets = [0, 36], sizes = [256, 12], strides = [1, 1]} : vector<256x96xf32> to vector<256x12xf32>
    %slice3A_223 = vector.extract_strided_slice %add3A_219 {offsets = [0, 48], sizes = [256, 12], strides = [1, 1]} : vector<256x96xf32> to vector<256x12xf32>
    %slice3A_224 = vector.extract_strided_slice %add3A_219 {offsets = [0, 60], sizes = [256, 12], strides = [1, 1]} : vector<256x96xf32> to vector<256x12xf32>
    %slice3A_225 = vector.extract_strided_slice %add3A_219 {offsets = [0, 72], sizes = [256, 12], strides = [1, 1]} : vector<256x96xf32> to vector<256x12xf32>
    %slice3A_226 = vector.extract_strided_slice %add3A_219 {offsets = [0, 84], sizes = [256, 12], strides = [1, 1]} : vector<256x96xf32> to vector<256x12xf32>
    %max3A = arith.maximumf %slice3A, %slice3A_220 : vector<256x12xf32>
    %max3A_227 = arith.maximumf %max3A, %slice3A_221 : vector<256x12xf32>
    %max3A_228 = arith.maximumf %max3A_227, %slice3A_222 : vector<256x12xf32>
    %max3A_229 = arith.maximumf %max3A_228, %slice3A_223 : vector<256x12xf32>
    %max3A_230 = arith.maximumf %max3A_229, %slice3A_224 : vector<256x12xf32>
    %max3A_231 = arith.maximumf %max3A_230, %slice3A_225 : vector<256x12xf32>
    %max3A_232 = arith.maximumf %max3A_231, %slice3A_226 : vector<256x12xf32>
    %reduce_max3A = arith.constant dense<0xFF800000> : vector<256x12xf32>
    %reduce_max3A_233 = vector.multi_reduction <maximumf>, %add3A, %reduce_max3A [1] : vector<256x16x12xf32> to vector<256x12xf32>
    %max3A_234 = arith.maximumf %dot_general3A_189, %reduce_max3A_233 : vector<256x12xf32>
    %max3A_235 = arith.maximumf %max3A_234, %max3A_232 : vector<256x12xf32>
    %sub3A_236 = arith.subf %dot_general3A_189, %max3A_235 : vector<256x12xf32>
    %exp3A = math.exp %sub3A_236 : vector<256x12xf32>
    %broadcast_in_dim3A_237 = vector.shape_cast %max3A_235 : vector<256x12xf32> to vector<256x1x12xf32>
    %sub3A_238 = vector.broadcast %broadcast_in_dim3A_237 : vector<256x1x12xf32> to vector<256x16x12xf32>
    %sub3A_239 = arith.subf %add3A, %sub3A_238 : vector<256x16x12xf32>
    %exp3A_240 = math.exp %sub3A_239 : vector<256x16x12xf32>
    %concatenate3A_241 = tpu.concatenate %max3A_235, %max3A_235, %max3A_235, %max3A_235, %max3A_235, %max3A_235, %max3A_235, %max3A_235 in 1 : vector<256x12xf32>, vector<256x12xf32>, vector<256x12xf32>, vector<256x12xf32>, vector<256x12xf32>, vector<256x12xf32>, vector<256x12xf32>, vector<256x12xf32> -> vector<256x96xf32>
    %sub3A_242 = arith.subf %add3A_219, %concatenate3A_241 : vector<256x96xf32>
    %exp3A_243 = math.exp %sub3A_242 : vector<256x96xf32>
    %slice3A_244 = vector.extract_strided_slice %exp3A_243 {offsets = [0, 0], sizes = [256, 12], strides = [1, 1]} : vector<256x96xf32> to vector<256x12xf32>
    %slice3A_245 = vector.extract_strided_slice %exp3A_243 {offsets = [0, 12], sizes = [256, 12], strides = [1, 1]} : vector<256x96xf32> to vector<256x12xf32>
    %slice3A_246 = vector.extract_strided_slice %exp3A_243 {offsets = [0, 24], sizes = [256, 12], strides = [1, 1]} : vector<256x96xf32> to vector<256x12xf32>
    %slice3A_247 = vector.extract_strided_slice %exp3A_243 {offsets = [0, 36], sizes = [256, 12], strides = [1, 1]} : vector<256x96xf32> to vector<256x12xf32>
    %slice3A_248 = vector.extract_strided_slice %exp3A_243 {offsets = [0, 48], sizes = [256, 12], strides = [1, 1]} : vector<256x96xf32> to vector<256x12xf32>
    %slice3A_249 = vector.extract_strided_slice %exp3A_243 {offsets = [0, 60], sizes = [256, 12], strides = [1, 1]} : vector<256x96xf32> to vector<256x12xf32>
    %slice3A_250 = vector.extract_strided_slice %exp3A_243 {offsets = [0, 72], sizes = [256, 12], strides = [1, 1]} : vector<256x96xf32> to vector<256x12xf32>
    %slice3A_251 = vector.extract_strided_slice %exp3A_243 {offsets = [0, 84], sizes = [256, 12], strides = [1, 1]} : vector<256x96xf32> to vector<256x12xf32>
    %add3A_252 = arith.addf %slice3A_244, %slice3A_245 : vector<256x12xf32>
    %add3A_253 = arith.addf %add3A_252, %slice3A_246 : vector<256x12xf32>
    %add3A_254 = arith.addf %add3A_253, %slice3A_247 : vector<256x12xf32>
    %add3A_255 = arith.addf %add3A_254, %slice3A_248 : vector<256x12xf32>
    %add3A_256 = arith.addf %add3A_255, %slice3A_249 : vector<256x12xf32>
    %add3A_257 = arith.addf %add3A_256, %slice3A_250 : vector<256x12xf32>
    %add3A_258 = arith.addf %add3A_257, %slice3A_251 : vector<256x12xf32>
    %reduce_sum3A = arith.constant dense<0.000000e+00> : vector<256x12xf32>
    %reduce_sum3A_259 = vector.multi_reduction <add>, %exp3A_240, %reduce_sum3A [1] : vector<256x16x12xf32> to vector<256x12xf32>
    %add3A_260 = arith.addf %exp3A, %reduce_sum3A_259 : vector<256x12xf32>
    %add3A_261 = arith.addf %add3A_260, %add3A_258 : vector<256x12xf32>
    %div3A_262 = arith.constant 1.000000e+00 : f32
    %div3A_263 = vector.broadcast %div3A_262 : f32 to vector<256x12xf32>
    %div3A_264 = arith.divf %div3A_263, %add3A_261 : vector<256x12xf32>
    %mul3A_265 = arith.mulf %exp3A, %div3A_264 : vector<256x12xf32>
    %broadcast_in_dim3A_266 = vector.shape_cast %div3A_264 : vector<256x12xf32> to vector<256x1x12xf32>
    %mul3A_267 = vector.broadcast %broadcast_in_dim3A_266 : vector<256x1x12xf32> to vector<256x16x12xf32>
    %mul3A_268 = arith.mulf %exp3A_240, %mul3A_267 : vector<256x16x12xf32>
    %reshape3A_269 = vector.shape_cast %mul3A_268 : vector<256x16x12xf32> to vector<4096x12xf32>
    %concatenate3A_270 = tpu.concatenate %div3A_264, %div3A_264, %div3A_264, %div3A_264, %div3A_264, %div3A_264, %div3A_264, %div3A_264 in 1 : vector<256x12xf32>, vector<256x12xf32>, vector<256x12xf32>, vector<256x12xf32>, vector<256x12xf32>, vector<256x12xf32>, vector<256x12xf32>, vector<256x12xf32> -> vector<256x96xf32>
    %mul3A_271 = arith.mulf %exp3A_243, %concatenate3A_270 : vector<256x96xf32>
    %get3A_272 = arith.constant 0 : index
    %get3A_273 = arith.constant 0 : index
    %get3A_274 = arith.constant 0 : index
    %get3A_275 = vector.load %arg4[%get3A_272, %get3A_273, %get3A_274] : memref<1x4096x384xi32, #tpu.memory_space<vmem>>, vector<1x4096x128xi32>
    %get3A_276 = vector.shape_cast %get3A_275 : vector<1x4096x128xi32> to vector<4096x128xi32>
    %shift_left3A_277 = arith.constant 16 : i32
    %shift_left3A_278 = vector.broadcast %shift_left3A_277 : i32 to vector<4096x128xi32>
    %shift_left3A_279 = arith.shli %get3A_276, %shift_left3A_278 : vector<4096x128xi32>
    %bitcast_convert_type3A_280 = tpu.bitcast %shift_left3A_279 : vector<4096x128xi32> -> vector<4096x128xf32>
    %and3A_281 = arith.constant -65536 : i32
    %and3A_282 = vector.broadcast %and3A_281 : i32 to vector<4096x128xi32>
    %and3A_283 = arith.andi %get3A_276, %and3A_282 : vector<4096x128xi32>
    %bitcast_convert_type3A_284 = tpu.bitcast %and3A_283 : vector<4096x128xi32> -> vector<4096x128xf32>
    %get3A_285 = arith.constant 0 : index
    %get3A_286 = arith.constant 0 : index
    %get3A_287 = arith.constant 128 : index
    %get3A_288 = vector.load %arg4[%get3A_285, %get3A_286, %get3A_287] : memref<1x4096x384xi32, #tpu.memory_space<vmem>>, vector<1x4096x128xi32>
    %get3A_289 = vector.shape_cast %get3A_288 : vector<1x4096x128xi32> to vector<4096x128xi32>
    %shift_left3A_290 = arith.constant 16 : i32
    %shift_left3A_291 = vector.broadcast %shift_left3A_290 : i32 to vector<4096x128xi32>
    %shift_left3A_292 = arith.shli %get3A_289, %shift_left3A_291 : vector<4096x128xi32>
    %bitcast_convert_type3A_293 = tpu.bitcast %shift_left3A_292 : vector<4096x128xi32> -> vector<4096x128xf32>
    %and3A_294 = arith.constant -65536 : i32
    %and3A_295 = vector.broadcast %and3A_294 : i32 to vector<4096x128xi32>
    %and3A_296 = arith.andi %get3A_289, %and3A_295 : vector<4096x128xi32>
    %bitcast_convert_type3A_297 = tpu.bitcast %and3A_296 : vector<4096x128xi32> -> vector<4096x128xf32>
    %get3A_298 = arith.constant 0 : index
    %get3A_299 = arith.constant 0 : index
    %get3A_300 = arith.constant 256 : index
    %get3A_301 = vector.load %arg4[%get3A_298, %get3A_299, %get3A_300] : memref<1x4096x384xi32, #tpu.memory_space<vmem>>, vector<1x4096x128xi32>
    %get3A_302 = vector.shape_cast %get3A_301 : vector<1x4096x128xi32> to vector<4096x128xi32>
    %shift_left3A_303 = arith.constant 16 : i32
    %shift_left3A_304 = vector.broadcast %shift_left3A_303 : i32 to vector<4096x128xi32>
    %shift_left3A_305 = arith.shli %get3A_302, %shift_left3A_304 : vector<4096x128xi32>
    %bitcast_convert_type3A_306 = tpu.bitcast %shift_left3A_305 : vector<4096x128xi32> -> vector<4096x128xf32>
    %and3A_307 = arith.constant -65536 : i32
    %and3A_308 = vector.broadcast %and3A_307 : i32 to vector<4096x128xi32>
    %and3A_309 = arith.andi %get3A_302, %and3A_308 : vector<4096x128xi32>
    %bitcast_convert_type3A_310 = tpu.bitcast %and3A_309 : vector<4096x128xi32> -> vector<4096x128xf32>
    %get3A_311 = arith.constant 0 : index
    %get3A_312 = arith.constant 0 : index
    %get3A_313 = arith.constant 0 : index
    %get3A_314 = vector.load %arg6[%get3A_311, %get3A_312, %get3A_313] : memref<1x256x384xi32, #tpu.memory_space<vmem>>, vector<1x256x128xi32>
    %get3A_315 = vector.shape_cast %get3A_314 : vector<1x256x128xi32> to vector<256x128xi32>
    %shift_left3A_316 = arith.constant 16 : i32
    %shift_left3A_317 = vector.broadcast %shift_left3A_316 : i32 to vector<256x128xi32>
    %shift_left3A_318 = arith.shli %get3A_315, %shift_left3A_317 : vector<256x128xi32>
    %bitcast_convert_type3A_319 = tpu.bitcast %shift_left3A_318 : vector<256x128xi32> -> vector<256x128xf32>
    %and3A_320 = arith.constant -65536 : i32
    %and3A_321 = vector.broadcast %and3A_320 : i32 to vector<256x128xi32>
    %and3A_322 = arith.andi %get3A_315, %and3A_321 : vector<256x128xi32>
    %bitcast_convert_type3A_323 = tpu.bitcast %and3A_322 : vector<256x128xi32> -> vector<256x128xf32>
    %get3A_324 = arith.constant 0 : index
    %get3A_325 = arith.constant 0 : index
    %get3A_326 = arith.constant 128 : index
    %get3A_327 = vector.load %arg6[%get3A_324, %get3A_325, %get3A_326] : memref<1x256x384xi32, #tpu.memory_space<vmem>>, vector<1x256x128xi32>
    %get3A_328 = vector.shape_cast %get3A_327 : vector<1x256x128xi32> to vector<256x128xi32>
    %shift_left3A_329 = arith.constant 16 : i32
    %shift_left3A_330 = vector.broadcast %shift_left3A_329 : i32 to vector<256x128xi32>
    %shift_left3A_331 = arith.shli %get3A_328, %shift_left3A_330 : vector<256x128xi32>
    %bitcast_convert_type3A_332 = tpu.bitcast %shift_left3A_331 : vector<256x128xi32> -> vector<256x128xf32>
    %and3A_333 = arith.constant -65536 : i32
    %and3A_334 = vector.broadcast %and3A_333 : i32 to vector<256x128xi32>
    %and3A_335 = arith.andi %get3A_328, %and3A_334 : vector<256x128xi32>
    %bitcast_convert_type3A_336 = tpu.bitcast %and3A_335 : vector<256x128xi32> -> vector<256x128xf32>
    %get3A_337 = arith.constant 0 : index
    %get3A_338 = arith.constant 0 : index
    %get3A_339 = arith.constant 256 : index
    %get3A_340 = vector.load %arg6[%get3A_337, %get3A_338, %get3A_339] : memref<1x256x384xi32, #tpu.memory_space<vmem>>, vector<1x256x128xi32>
    %get3A_341 = vector.shape_cast %get3A_340 : vector<1x256x128xi32> to vector<256x128xi32>
    %shift_left3A_342 = arith.constant 16 : i32
    %shift_left3A_343 = vector.broadcast %shift_left3A_342 : i32 to vector<256x128xi32>
    %shift_left3A_344 = arith.shli %get3A_341, %shift_left3A_343 : vector<256x128xi32>
    %bitcast_convert_type3A_345 = tpu.bitcast %shift_left3A_344 : vector<256x128xi32> -> vector<256x128xf32>
    %and3A_346 = arith.constant -65536 : i32
    %and3A_347 = vector.broadcast %and3A_346 : i32 to vector<256x128xi32>
    %and3A_348 = arith.andi %get3A_341, %and3A_347 : vector<256x128xi32>
    %bitcast_convert_type3A_349 = tpu.bitcast %and3A_348 : vector<256x128xi32> -> vector<256x128xf32>
    %get3A_350 = arith.constant 0 : index
    %get3A_351 = arith.constant 0 : index
    %get3A_352 = arith.constant 0 : index
    %get3A_353 = vector.load %arg8[%get3A_350, %get3A_351, %get3A_352] : memref<1x8x384xi32, #tpu.memory_space<vmem>>, vector<1x8x128xi32>
    %get3A_354 = vector.shape_cast %get3A_353 : vector<1x8x128xi32> to vector<8x128xi32>
    %shift_left3A_355 = arith.constant 16 : i32
    %shift_left3A_356 = vector.broadcast %shift_left3A_355 : i32 to vector<8x128xi32>
    %shift_left3A_357 = arith.shli %get3A_354, %shift_left3A_356 : vector<8x128xi32>
    %bitcast_convert_type3A_358 = tpu.bitcast %shift_left3A_357 : vector<8x128xi32> -> vector<8x128xf32>
    %and3A_359 = arith.constant -65536 : i32
    %and3A_360 = vector.broadcast %and3A_359 : i32 to vector<8x128xi32>
    %and3A_361 = arith.andi %get3A_354, %and3A_360 : vector<8x128xi32>
    %bitcast_convert_type3A_362 = tpu.bitcast %and3A_361 : vector<8x128xi32> -> vector<8x128xf32>
    %get3A_363 = arith.constant 0 : index
    %get3A_364 = arith.constant 0 : index
    %get3A_365 = arith.constant 128 : index
    %get3A_366 = vector.load %arg8[%get3A_363, %get3A_364, %get3A_365] : memref<1x8x384xi32, #tpu.memory_space<vmem>>, vector<1x8x128xi32>
    %get3A_367 = vector.shape_cast %get3A_366 : vector<1x8x128xi32> to vector<8x128xi32>
    %shift_left3A_368 = arith.constant 16 : i32
    %shift_left3A_369 = vector.broadcast %shift_left3A_368 : i32 to vector<8x128xi32>
    %shift_left3A_370 = arith.shli %get3A_367, %shift_left3A_369 : vector<8x128xi32>
    %bitcast_convert_type3A_371 = tpu.bitcast %shift_left3A_370 : vector<8x128xi32> -> vector<8x128xf32>
    %and3A_372 = arith.constant -65536 : i32
    %and3A_373 = vector.broadcast %and3A_372 : i32 to vector<8x128xi32>
    %and3A_374 = arith.andi %get3A_367, %and3A_373 : vector<8x128xi32>
    %bitcast_convert_type3A_375 = tpu.bitcast %and3A_374 : vector<8x128xi32> -> vector<8x128xf32>
    %get3A_376 = arith.constant 0 : index
    %get3A_377 = arith.constant 0 : index
    %get3A_378 = arith.constant 256 : index
    %get3A_379 = vector.load %arg8[%get3A_376, %get3A_377, %get3A_378] : memref<1x8x384xi32, #tpu.memory_space<vmem>>, vector<1x8x128xi32>
    %get3A_380 = vector.shape_cast %get3A_379 : vector<1x8x128xi32> to vector<8x128xi32>
    %shift_left3A_381 = arith.constant 16 : i32
    %shift_left3A_382 = vector.broadcast %shift_left3A_381 : i32 to vector<8x128xi32>
    %shift_left3A_383 = arith.shli %get3A_380, %shift_left3A_382 : vector<8x128xi32>
    %bitcast_convert_type3A_384 = tpu.bitcast %shift_left3A_383 : vector<8x128xi32> -> vector<8x128xf32>
    %and3A_385 = arith.constant -65536 : i32
    %and3A_386 = vector.broadcast %and3A_385 : i32 to vector<8x128xi32>
    %and3A_387 = arith.andi %get3A_380, %and3A_386 : vector<8x128xi32>
    %bitcast_convert_type3A_388 = tpu.bitcast %and3A_387 : vector<8x128xi32> -> vector<8x128xf32>
    %concatenate3A_389 = tpu.concatenate %bitcast_convert_type3A_280, %bitcast_convert_type3A_284, %bitcast_convert_type3A_293, %bitcast_convert_type3A_297, %bitcast_convert_type3A_306, %bitcast_convert_type3A_310 in 1 : vector<4096x128xf32>, vector<4096x128xf32>, vector<4096x128xf32>, vector<4096x128xf32>, vector<4096x128xf32>, vector<4096x128xf32> -> vector<4096x768xf32>
    %concatenate3A_390 = tpu.concatenate %bitcast_convert_type3A_319, %bitcast_convert_type3A_323, %bitcast_convert_type3A_332, %bitcast_convert_type3A_336, %bitcast_convert_type3A_345, %bitcast_convert_type3A_349 in 1 : vector<256x128xf32>, vector<256x128xf32>, vector<256x128xf32>, vector<256x128xf32>, vector<256x128xf32>, vector<256x128xf32> -> vector<256x768xf32>
    %dot_general3A_391 = arith.constant dense<0.000000e+00> : vector<256x768xf32>
    %dot_general3A_392 = tpu.matmul %mul3A_265, %convert_element_type3A_181, %dot_general3A_391 {dimension_numbers = #tpu.dot_dimension_numbers<[1], [0], [0], [1], [0, 0, 1, 1], [], []>, transpose_lhs_hint = false} : vector<256x12xf32>, vector<12x768xf32>, vector<256x768xf32> -> vector<256x768xf32>
    %mul3A_393 = arith.mulf %dot_general3A_392, %concatenate3A_390 : vector<256x768xf32>
    %dot_general3A_394 = arith.constant dense<0.000000e+00> : vector<4096x768xf32>
    %dot_general3A_395 = tpu.matmul %reshape3A_269, %convert_element_type3A_181, %dot_general3A_394 {dimension_numbers = #tpu.dot_dimension_numbers<[1], [0], [0], [1], [0, 0, 1, 1], [], []>, transpose_lhs_hint = false} : vector<4096x12xf32>, vector<12x768xf32>, vector<4096x768xf32> -> vector<4096x768xf32>
    %mul3A_396 = arith.mulf %dot_general3A_395, %concatenate3A_389 : vector<4096x768xf32>
    %reshape3A_397 = vector.shape_cast %mul3A_396 : vector<4096x768xf32> to vector<256x16x768xf32>
    %reduce_sum3A_398 = arith.constant dense<0.000000e+00> : vector<256x768xf32>
    %reduce_sum3A_399 = vector.multi_reduction <add>, %reshape3A_397, %reduce_sum3A_398 [1] : vector<256x16x768xf32> to vector<256x768xf32>
    %add3A_400 = arith.addf %mul3A_393, %reduce_sum3A_399 : vector<256x768xf32>
    %concatenate3A_401 = tpu.concatenate %bitcast_convert_type3A_358, %bitcast_convert_type3A_362, %bitcast_convert_type3A_371, %bitcast_convert_type3A_375, %bitcast_convert_type3A_384, %bitcast_convert_type3A_388 in 1 : vector<8x128xf32>, vector<8x128xf32>, vector<8x128xf32>, vector<8x128xf32>, vector<8x128xf32>, vector<8x128xf32> -> vector<8x768xf32>
    %broadcast_in_dim3A_402 = vector.shape_cast %concatenate3A_401 : vector<8x768xf32> to vector<8x1x768xf32>
    %broadcast_in_dim3A_403 = vector.shape_cast %broadcast_in_dim3A_402 : vector<8x1x768xf32> to vector<8x1x768xf32>
    %broadcast_in_dim3A_404 = vector.broadcast %broadcast_in_dim3A_403 : vector<8x1x768xf32> to vector<8x12x768xf32>
    %broadcast_in_dim3A_405 = vector.shape_cast %convert_element_type3A_181 : vector<12x768xf32> to vector<1x12x768xf32>
    %mul3A_406 = vector.broadcast %broadcast_in_dim3A_405 : vector<1x12x768xf32> to vector<8x12x768xf32>
    %mul3A_407 = arith.mulf %broadcast_in_dim3A_404, %mul3A_406 : vector<8x12x768xf32>
    %reshape3A_408 = vector.shape_cast %mul3A_407 : vector<8x12x768xf32> to vector<96x768xf32>
    %dot_general3A_409 = arith.constant dense<0.000000e+00> : vector<256x768xf32>
    %dot_general3A_410 = tpu.matmul %mul3A_271, %reshape3A_408, %dot_general3A_409 {dimension_numbers = #tpu.dot_dimension_numbers<[1], [0], [0], [1], [0, 0, 1, 1], [], []>, transpose_lhs_hint = false} : vector<256x96xf32>, vector<96x768xf32>, vector<256x768xf32> -> vector<256x768xf32>
    %add3A_411 = arith.addf %add3A_400, %dot_general3A_410 : vector<256x768xf32>
    %get3A_412 = arith.constant 0 : index
    %get3A_413 = arith.constant 0 : index
    %get3A_414 = vector.load %arg11[%get3A_412, %get3A_413] : memref<768x768xf32, #tpu.memory_space<vmem>>, vector<768x768xf32>
    %dot_general3A_415 = arith.constant dense<0.000000e+00> : vector<256x768xf32>
    %dot_general3A_416 = tpu.matmul %add3A_411, %get3A_414, %dot_general3A_415 {dimension_numbers = #tpu.dot_dimension_numbers<[1], [0], [0], [1], [0, 0, 1, 1], [], []>, transpose_lhs_hint = false} : vector<256x768xf32>, vector<768x768xf32>, vector<256x768xf32> -> vector<256x768xf32>
    %get3A_417 = arith.constant 0 : index
    %get3A_418 = arith.constant 0 : index
    %get3A_419 = vector.load %arg12[%get3A_417, %get3A_418] : memref<8x768xf32, #tpu.memory_space<vmem>>, vector<1x768xf32>
    %add3A_420 = vector.broadcast %get3A_419 : vector<1x768xf32> to vector<256x768xf32>
    %add3A_421 = arith.addf %dot_general3A_416, %add3A_420 : vector<256x768xf32>
    %swap3A = arith.constant 0 : index
    %swap3A_422 = arith.constant 0 : index
    %swap3A_423 = arith.constant 0 : index
    %swap3A_424 = vector.load %arg13[%swap3A, %swap3A_422, %swap3A_423] : memref<1x256x768xf32, #tpu.memory_space<vmem>>, vector<1x256x768xf32>
    %swap3A_425 = vector.shape_cast %swap3A_424 : vector<1x256x768xf32> to vector<256x768xf32>
    %swap3A_426 = vector.shape_cast %add3A_421 : vector<256x768xf32> to vector<1x256x768xf32>
    tpu.vector_store %arg13[%swap3A, %swap3A_422, %swap3A_423], %swap3A_426 {strides = array<i32>} : memref<1x256x768xf32, #tpu.memory_space<vmem>>, vector<1x256x768xf32>,
    return
  }
  func.func @transform_0(%arg0: i32, %arg1: i32) -> (i32, i32, i32) {
    %c0_i32 = arith.constant 0 : i32
    %c0_i32_0 = arith.constant 0 : i32
    return %arg0, %arg1, %c0_i32 : i32, i32, i32
  }
  func.func @transform_1(%arg0: i32, %arg1: i32) -> (i32, i32, i32) {
    %c0_i32 = arith.constant 0 : i32
    %c0_i32_0 = arith.constant 0 : i32
    return %arg0, %arg1, %c0_i32 : i32, i32, i32
  }
  func.func @transform_2(%arg0: i32, %arg1: i32) -> (i32, i32, i32) {
    %c0_i32 = arith.constant 0 : i32
    %c0_i32_0 = arith.constant 0 : i32
    return %arg0, %arg1, %c0_i32 : i32, i32, i32
  }
  func.func @transform_3(%arg0: i32, %arg1: i32) -> (i32, i32, i32) {
    %c0_i32 = arith.constant 0 : i32
    %c0_i32_0 = arith.constant 0 : i32
    return %arg0, %arg1, %c0_i32 : i32, i32, i32
  }
  func.func @transform_4(%arg0: i32, %arg1: i32) -> (i32, i32, i32) {
    %c0_i32 = arith.constant 0 : i32
    %c0_i32_0 = arith.constant 0 : i32
    return %arg0, %arg1, %c0_i32 : i32, i32, i32
  }
  func.func @transform_5(%arg0: i32, %arg1: i32) -> (i32, i32, i32) {
    %c0_i32 = arith.constant 0 : i32
    %c0_i32_0 = arith.constant 0 : i32
    %c0_i32_1 = arith.constant 0 : i32
    return %arg0, %c0_i32, %c0_i32_0 : i32, i32, i32
  }
  func.func @transform_6(%arg0: i32, %arg1: i32) -> (i32, i32, i32) {
    %c0_i32 = arith.constant 0 : i32
    %c0_i32_0 = arith.constant 0 : i32
    %c0_i32_1 = arith.constant 0 : i32
    return %arg0, %c0_i32, %c0_i32_0 : i32, i32, i32
  }
  func.func @transform_7(%arg0: i32, %arg1: i32) -> (i32, i32, i32) {
    %c0_i32 = arith.constant 0 : i32
    %c0_i32_0 = arith.constant 0 : i32
    return %arg0, %arg1, %c0_i32 : i32, i32, i32
  }
  func.func @transform_8(%arg0: i32, %arg1: i32) -> (i32, i32) {
    %c0_i32 = arith.constant 0 : i32
    %c0_i32_0 = arith.constant 0 : i32
    %c0_i32_1 = arith.constant 0 : i32
    return %c0_i32, %c0_i32_0 : i32, i32
  }
  func.func @transform_9(%arg0: i32, %arg1: i32) -> (i32, i32) {
    %c0_i32 = arith.constant 0 : i32
    %c0_i32_0 = arith.constant 0 : i32
    %c0_i32_1 = arith.constant 0 : i32
    return %c0_i32, %c0_i32_0 : i32, i32
  }
  func.func @transform_10(%arg0: i32, %arg1: i32) -> (i32, i32) {
    %c0_i32 = arith.constant 0 : i32
    %c0_i32_0 = arith.constant 0 : i32
    %c0_i32_1 = arith.constant 0 : i32
    return %c0_i32, %c0_i32_0 : i32, i32
  }
  func.func @transform_11(%arg0: i32, %arg1: i32) -> (i32, i32, i32) {
    %c0_i32 = arith.constant 0 : i32
    %c0_i32_0 = arith.constant 0 : i32
    return %arg0, %arg1, %c0_i32 : i32, i32, i32
  }
}

</mosaic_0001>

<sc_bundles>
// kernel: kernel.5.cloned.1.call-start
scs
__scs_entry_jumppad:
0x0: {  	(pc) =	sbr.rel $0x88, $3  }
0x1: {  	(tag) =	ssettag $0x0;
	lr =	simm.s32 $0x1  }
0x2: {  	[smem:$0x3F96] =	sst lr;
	_ =	strace $0xD0000000  }
0x3: {  	_ = 	snop  }
0x4: {  	_ = 	snop  }
0x5: {  	_ = 	snop  }
0x6: {  	_ = 	snop  }
0x7: {  	_ = 	snop  }
__scs_overlays_trampoline_lowered:
0x8: {  	[smem:$0x3FA5] =	sst s0  }
0x9: {  	[smem:$0x3FA6] =	sst s1  }
0xa: {  	[smem:$0x3FA7] =	sst s2  }
0xb: {  	[smem:$0x3FA8] =	sst s3  }
0xc: {  	[smem:$0x3FA9] =	sst s4  }
0xd: {  	[smem:$0x3FAA] =	sst s5  }
0xe: {  	[smem:$0x3FAB] =	sst s6  }
0xf: {  	[smem:$0x3FAC] =	sst s7  }
0x10: {  	[smem:$0x3FAD] =	sst s8  }
0x11: {  	[smem:$0x3FAE] =	sst s9;
	s0 =	simm.s32 @!p0 $0x0  }
0x12: {  	s1 =	sld [smem:$0x3F94];
	s0 =	simm.s32 @p0 $0x1  }
0x13: {  	[smem:$0x3FAF] =	sst s0;
	s0 =	simm.s32 @!p1 $0x0  }
0x14: {  	s2 =	sld [smem:$0x3F93];
	s0 =	simm.s32 @p1 $0x1  }
0x15: {  	[smem:$0x3FB0] =	sst s0;
	s0 =	simm.s32 @!p2 $0x0  }
0x16: {  	s3 =	sld [smem:$0x3FDB];
	s0 =	simm.s32 @p2 $0x1  }
0x17: {  	s4 =	simm.s32 $0x1BF5;
	[smem:$0x3FB2] =	sst s0  }
0x18: {  	s0 =	sld [smem:$0x3F95];
	_ =	swait.ge [sflag:s4], $0x0  }
0x19: {  	s7 =	sld [smem:$0x3F96]  }
0x1a: {  	s8 =	sadd.s32 $0xFFFFE003, lr  }
0x1b: {  	s9 =	sadd.s32 $0xFFFFFEF7, lr;
	s5 =	simm.s32 $0xFFFFFFFF;
	p2 =	slt.u32 s8, $0xFFFFF086  }
0x1c: {  	p1 =	slt.u32 s9, $0xF7A;
	s5 =	simm.s32 @!p2 $0x0  }
0x1d: {  	s5 =	simm.s32 @p1 $0x1;
	p0 =	seq.s32 s7, s2  }
0x1e: {  	s7 =	smul.u32 @!p0 $0xF7A, s2;
	p2 =	seq.s32 @!p0 s5, $0x0  }
0x1f: {  	s9 =	smul.u32 $0xF7A, s1;
	s8 =	simm.s32 @!p0 $0x1BF5;
	p2 =	por !p2, p0  }
0x20: {  	[sflag:s8] =	ssyncset.s32 @!p0 $0xFFFFF086;
	s6 =	sadd.s32 @!p0 s3, s7;
	s7 =	simm.s32 @!p0 $0x108  }
0x21: {  	s3 =	sadd.s32 s3, s9;
	s6 =	sadd.s32 @!p0 $0x88, s6;
	s7 =	simm.s32 @p2 $0x1082  }
0x22: {  	[simem:s7], [sflag:s8] =	dma.local @!p0 [hbm:s6], $0xF7A  }
0x23: {  	s9 =	sor.u32 $0xD0000000, s2;
	s6 =	simm.s32 $0x108;
	_ =	swait.ge @!p0 [sflag:s8], $0x0  }
0x24: {  	s3 =	sadd.s32 $0x88, s3;
	s6 =	simm.s32 @!p1 $0x1082;
	[sflag:s4] =	ssyncset.s32 $0xFFFFF086  }
0x25: {  	[simem:s6], [sflag:s4] =	dma.local [hbm:s3], $0xF7A  }
0x26: {  	[smem:$0x3F96] =	sst s1;
	(tag) =	ssettag s2;
	_ =	strace s9  }
0x27: {  	s1 =	sld [smem:$0x3FA6]  }
0x28: {  	s2 =	sld [smem:$0x3FA7]  }
0x29: {  	s4 =	sld [smem:$0x3FA9]  }
0x2a: {  	p0 =	seq.s32 s5, $0x0;
	s5 =	sld [smem:$0x3FAA]  }
0x2b: {  	s6 =	sld [smem:$0x3FAB]  }
0x2c: {  	s7 =	sld [smem:$0x3FAC]  }
0x2d: {  	s3 =	simm.s32 $0x108;
	s8 =	sld [smem:$0x3FAD]  }
0x2e: {  	s3 =	simm.s32 @!p0 $0x1082;
	s9 =	sld [smem:$0x3FAE]  }
0x2f: {  	lr =	sadd.s32 s0, s3;
	s0 =	sld [smem:$0x3FA5]  }
0x30: {  	s3 =	sld [smem:$0x3FA8]  }
0x31: {  	[smem:$0x3FB1] =	sst s10  }
0x32: {  	s10 =	sld [smem:$0x3FAF];
	_ =	sdelay $0x3  }
0x33: {  	p0 =	seq.s32 s10, $0x1;
	s10 =	sld [smem:$0x3FB1];
	_ =	sdelay $0x3  }
0x34: {  	[smem:$0x3FB1] =	sst s10  }
0x35: {  	s10 =	sld [smem:$0x3FB0];
	_ =	sdelay $0x3  }
0x36: {  	p1 =	seq.s32 s10, $0x1;
	s10 =	sld [smem:$0x3FB1];
	_ =	sdelay $0x3  }
0x37: {  	[smem:$0x3FB1] =	sst s10  }
0x38: {  	s10 =	sld [smem:$0x3FB2]  }
0x39: {  	_ = 	snop;
	(pc) =	sbr.ind lr, $3  }
0x3a: {  	_ = 	snop  }
0x3b: {  	_ = 	snop  }
0x3c: {  	p2 =	seq.s32 s10, $0x1;
	s10 =	sld [smem:$0x3FB1]  }
0x3d: {  	_ =	shalt  }
0x3e: {  	_ =	shalt  }
0x3f: {  	_ =	shalt  }
0x40: {  	_ =	shalt  }
0x41: {  	_ =	shalt  }
0x42: {  	_ =	shalt  }
0x43: {  	_ =	shalt  }
0x44: {  	_ =	shalt  }
0x45: {  	_ =	shalt  }
0x46: {  	_ =	shalt  }
0x47: {  	_ =	shalt  }
0x48: {  	_ =	shalt  }
0x49: {  	_ =	shalt  }
0x4a: {  	_ =	shalt  }
0x4b: {  	_ =	shalt  }
0x4c: {  	_ =	shalt  }
0x4d: {  	_ =	shalt  }
0x4e: {  	_ =	shalt  }
0x4f: {  	_ =	shalt  }
0x50: {  	_ =	shalt  }
0x51: {  	_ =	shalt  }
0x52: {  	_ =	shalt  }
0x53: {  	_ =	shalt  }
0x54: {  	_ =	shalt  }
0x55: {  	_ =	shalt  }
0x56: {  	_ =	shalt  }
0x57: {  	_ =	shalt  }
0x58: {  	_ =	shalt  }
0x59: {  	_ =	shalt  }
0x5a: {  	_ =	shalt  }
0x5b: {  	_ =	shalt  }
0x5c: {  	_ =	shalt  }
0x5d: {  	_ =	shalt  }
0x5e: {  	_ =	shalt  }
0x5f: {  	_ =	shalt  }
0x60: {  	_ =	shalt  }
0x61: {  	_ =	shalt  }
0x62: {  	_ =	shalt  }
0x63: {  	_ =	shalt  }
0x64: {  	_ =	shalt  }
0x65: {  	_ =	shalt  }
0x66: {  	_ =	shalt  }
0x67: {  	_ =	shalt  }
0x68: {  	_ =	shalt  }
0x69: {  	_ =	shalt  }
0x6a: {  	_ =	shalt  }
0x6b: {  	_ =	shalt  }
0x6c: {  	_ =	shalt  }
0x6d: {  	_ =	shalt  }
0x6e: {  	_ =	shalt  }
0x6f: {  	_ =	shalt  }
0x70: {  	_ =	shalt  }
0x71: {  	_ =	shalt  }
0x72: {  	_ =	shalt  }
0x73: {  	_ =	shalt  }
0x74: {  	_ =	shalt  }
0x75: {  	_ =	shalt  }
0x76: {  	_ =	shalt  }
0x77: {  	_ =	shalt  }
0x78: {  	_ =	shalt  }
0x79: {  	_ =	shalt  }
0x7a: {  	_ =	shalt  }
0x7b: {  	_ =	shalt  }
0x7c: {  	_ =	shalt  }
0x7d: {  	_ =	shalt  }
0x7e: {  	_ =	shalt  }
0x7f: {  	_ =	shalt  }
0x80: {  	_ =	shalt  }
0x81: {  	_ =	shalt  }
0x82: {  	_ =	shalt  }
0x83: {  	_ =	shalt  }
0x84: {  	_ =	shalt  }
0x85: {  	_ =	shalt  }
0x86: {  	_ =	shalt  }
0x87: {  	_ =	shalt  }
.Lfunc_end0:
.L_simem_size_0:
called_computation_lowered:
.L_overlay_start_0:
0x88: {  	s2 =	sld [smem:$0x3FD9]  }
0x89: {  	s3 =	sld [smem:$0x3FFE];
	_ =	sdelay $0x1  }
0x8a: {  	s1 =	srdreg.scid  }
0x8b: {  	s0 =	sand.u32 $0x1, s1  }
0x8c: {  	s17 =	sshll.u32 s0, $0xA;
	s2 =	sadd.s32 s3, s2  }
0x8d: {  	s2 =	sadd.s32 s2, s17  }
0x8e: {  	[smem:$0x3FBD] =	sst s2  }
0x8f: {  	_ = 	snop  }
0x90: {  	s2 =	sld [smem:$0x3FD0];
	(tm) =	ssettm $0x1  }
0x91: {  	s18 =	sld [smem:$0x3FFB];
	_ =	sdelay $0x3  }
0x92: {  	_ =	strace s18  }
0x93: {  	s3 =	sld [smem:$0x3FFC];
	_ =	sdelay $0x3  }
0x94: {  	_ =	strace s3  }
0x95: {  	s3 =	sld [smem:$0x3FFD];
	_ =	sdelay $0x3  }
0x96: {  	_ =	strace s3  }
0x97: {  	_ =	strace $0x8FFFFFFF  }
0x98: {  	s19 =	sld [smem:$0x3FDB];
	_ =	sdelay $0x1  }
0x99: {  	s4 =	simm.s32 $_scs_section_size  }
0x9a: {  	s5 =	simm.s32 $_size__tile_overlayer_lowered;
	s6 =	simm.s32 $_tile_overlayer_lowered  }
0x9b: {  	s22 =	simm.s32 $0x1BFF;
	s21 =	sshll.u32 s6, $0x1;
	s3 =	sadd.s32 s4, s19  }
0x9c: {  	s7 =	simm.s32 $0x0;
	s20 =	sshll.u32 s5, $0x1;
	s5 =	sadd.s32 s21, s3  }
0x9d: {  	[timem:s7], [sflag:s22] =	dma.local [hbm:s5], s20  }
0x9e: {  	_ =	swait.ge [sflag:s22], s20  }
0x9f: {  	s4 =	ssub.s32 $0x0, s20;
	[sflag:s22] =	ssyncset.done $0x0  }
0xa0: {  	[sflag:s22] =	ssyncadd.s32 s4;
	_ =	sdelay $0x1  }
0xa1: {  	s23 =	simm.s32 $0x1B8B  }
0xa2: {  	_ =	swait.ge [sflag:s23], $0x1  }
0xa3: {  	[sflag:s23] =	ssyncset.done $0x0  }
0xa4: {  	s25 =	simm.s32 $0x1B8E;
	s24 =	sld [smem:$0x3FFE];
	[sflag:s23] =	ssyncadd.s32 $0xFFFFFFFF  }
0xa5: {  	s26 =	simm.s32 $execute0_lowered;
	[smem:$0x3FD2] =	sst s25  }
0xa6: {  	s5 =	sshll.u32 s26, $0x1;
	_ =	strace $0x80000046;
	[dreg:$0x1] =	wrdreg $0xFFFFFFFF  }
0xa7: {  	s28 =	simm.s32 $_size_execute0_lowered;
	s3 =	sadd.s32 s3, s5;
	[dreg:$0x0] =	wrdreg $0x0  }
0xa8: {  	s5 =	sshll.u32 s28, $0x1;
	[dreg:$0x2] =	wrdreg s3  }
0xa9: {  	[dreg:$0x3] =	wrdreg s5  }
0xaa: {  	[dreg:$0x4] =	wrdreg $0xC0  }
0xab: {  	_ =	task [dreg:s7], $0x5FFFF  }
0xac: {  	[dreg:$0x1] =	wrdreg $0xFFFFFFFF  }
0xad: {  	[dreg:$0x0] =	wrdreg $0x60  }
0xae: {  	[dreg:$0x2] =	wrdreg s2  }
0xaf: {  	[dreg:$0x3] =	wrdreg s24  }
0xb0: {  	[dreg:$0x4] =	wrdreg $0x9  }
0xb1: {  	_ =	task.clear_ibuf [dreg:s7], $0x5FFFF;
	_ =	strace $0x90000046  }
0xb2: {  	s29 =	simm.s32 $0x9;
	_ =	strace $0x80000048  }
0xb3: {  	_ =	swait.ge [sflag:s29], $0x1  }
0xb4: {  	[sflag:s29] =	ssyncadd.s32 $0xFFFFFFFF  }
0xb5: {  	_ =	strace $0x90000048  }
0xb6: {  	_ =	sfence  }
0xb7: {  	s30 =	sld [smem:$0x0];
	_ =	sdelay $0x2  }
0xb8: {  	s31 =	sshll.u32 s1, $0xD;
	s1 =	sshrl.u32 s1, $0x2  }
0xb9: {  	s3 =	sand.u32 $0x4000, s31;
	s1 =	sadd.s32 s1, s30  }
0xba: {  	s0 =	sor.u32 s3, s0;
	s1 =	sshll.u32 s1, $0x11  }
0xbb: {  	s0 =	sor.u32 s1, s0  }
0xbc: {  	s0 =	sadd.s32 $0x8F2B, s0  }
0xbd: {  	[sflag:s0] =	ssyncadd.remote.s32 $0x1  }
0xbe: {  	_ =	sfence.sel $0xFFFF  }
0xbf: {  	[dreg:$0x0] =	wrdreg $0xFFFFFFFF;
	(pc) =	sbr.abs _section_cstart, $3  }
0xc0: {  	[dreg:$0x1] =	wrdreg $0xFFFFFFFF  }
0xc1: {  	_ =	task.clear_ibuf [dreg:s7], $0x2FFFF;
	_ =	strace $0x9FFFFFFF  }
0xc2: {  	(tm) =	ssettm $0x7FFFFFFF  }
0xc3: {  	_ =	shalt  }
tec
execute0_lowered:
.L_overlay_start_1:
0x0: {  	(tag) =	ssettag $0x1  }
0x1: {  	s2 =	rddreg [dreg:$0x0]  }
0x2: {  	s0 =	rddreg [dreg:$0x1]  }
0x3: {  	s1 =	srdreg.scid;
	s13 =	stileid.u32  }
0x4: {  	s3 =	simm.s32 $0x0;
	s31 =	simm.s32 $0xD000;
	s28 =	simm.s32 $0x10800  }
0x5: {  	s29 =	simm.s32 $0x10C00;
	s30 =	simm.s32 $0x11400;
	s5 =	sand.u32 $0x1, s1  }
0x6: {  	s15 =	sshll.u32 s13, $0x1;
	[smem:$0x7FF] =	sst s3;
	s4 =	sadd.s32 $0x6000, s0  }
0x7: {  	s16 =	sshrl.u32 s13, $0x3;
	s9 =	sadd.s32 $0xD2000, s0;
	s11 =	sadd.s32 $0x3D2000, s0  }
0x8: {  	s19 =	sshll.u32 s13, $0x6;
	s13 =	smul.u32 $0x30000, s13;
	s6 =	sor.u32 s5, s15  }
0x9: {  	_ =	strace $0x80000047;
	s8 =	ssub.s32 $0x2, s5;
	s12 =	sshll.u32 s5, $0x5  }
0xa: {  	s5 =	smul.u32 $0x18000, s5;
	s15 =	simm.s32 $0x13000;
	s1 =	sshll.u32 s6, $0x9  }
0xb: {  	s10 =	sshrl.u32 s8, $0x1;
	s17 =	smul.u32 $0xC0000, s6;
	s6 =	sadd.s32 $0x100, s2  }
0xc: {  	s12 =	sor.u32 s12, s19;
	s24 =	sadd.s32 s13, s11;
	s19 =	simm.s32 $0xDC00  }
0xd: {  	s7 =	sadd.s32 s1, s0;
	s1 =	smul.u32 $0x880, s16;
	s8 =	ssub.s32 s8, s10  }
0xe: {  	s12 =	smul.u32 $0xC00, s12;
	s25 =	sadd.s32 s5, s24;
	s24 =	simm.s32 $0xF400  }
0xf: {  	s18 =	sadd.s32 $0x2000, s7;
	s10 =	sshrl.u32 s17, $0x3;
	s7 =	sadd.s32 $0x6100, s0  }
0x10: {  	s26 =	smax.u32 s8, $0x1;
	[dreg:$0x6] =	wrdreg s25;
	s8 =	simm.s32 $0x3  }
0x11: {  	s25 =	simm.s32 $0xFC00;
	s17 =	simm.s32 $0x12400;
	[dreg:$0x7] =	wrdreg s18  }
0x12: {  	s20 =	sadd.s32 $0x16800, s10;
	s21 =	sadd.s32 $0x17400, s10;
	s22 =	sadd.s32 s12, s11  }
0x13: {  	s12 =	sadd.s32 s12, s9;
	[dreg:$0xc] =	wrdreg s26;
	s26 =	simm.s32 $0x10000  }
0x14: {  	v0 =	vmov s1;
	s1 =	simm.s32 $0x12000;
	s18 =	simm.s32 $0x12C00;
	s14 =	sadd.s32 s9, s20  }
0x15: {  	s0 =	sadd.s32 s11, s20;
	s10 =	sadd.s32 s9, s21;
	[dreg:$0x8] =	wrdreg s14  }
0x16: {  	s23 =	sadd.s32 $0xC00, s12;
	s9 =	sadd.s32 s13, s9;
	[dreg:$0x9] =	wrdreg s0  }
0x17: {  	s13 =	simm.s32 $0x5;
	s20 =	simm.s32 $0xE400;
	[dreg:$0xa] =	wrdreg s10  }
0x18: {  	s10 =	sadd.s32 $0xC00, s22;
	[dreg:$0x4] =	wrdreg s23;
	s9 =	sadd.s32 s5, s9  }
0x19: {  	s0 =	sadd.s32 s11, s21;
	s14 =	simm.s32 $0x1000;
	[dreg:$0x3] =	wrdreg s10  }
0x1a: {  	v3 =	vlaneseq.u32;
	s22 =	simm.s32 $0x7000;
	s5 =	simm.s32 $0x1;
	[dreg:$0xb] =	wrdreg s0  }
0x1b: {  	vm0 =	vmmov $0xffff;
	vm1 =	vmmov $0xff;
	v2 =	vshrl.u32 v3, $0x3;
	s21 =	simm.s32 $0xE800;
	s23 =	simm.s32 $0xF000;
	[dreg:$0x5] =	wrdreg s9  }
0x1c: {  	v1 =	vand.u32 $0x7, v3;
	v3 =	vor.u32 $0x8, v3;
	v2 =	vmul.u32 $0x8, v2;
	s9 =	simm.s32 $0x2;
	s10 =	simm.s32 $0x4;
	s0 =	simm.s32 $0x0  }
.LBB2_1:
0x1d: {  	[dreg:$0xd] =	wrdreg s0  }
0x1e: {  	s11 =	rddreg [dreg:$0x7]  }
0x1f: {  	[tilespmem:s3], [sflag:$0x5] =	stream.linear.gather [hbm4b:s11+s3], $0x1000, $0x38;
	[tilespmem:$0x19000] =	vst v63  }
0x20: {  	_ =	swait.ge [sflag:s13], $0x1000  }
0x21: {  	[sflag:s13] =	ssyncset.done $0x0  }
0x22: {  	s11 =	simm.s32 $0x0;
	[sflag:s13] =	ssyncadd.s32 $0xFFFFF000  }
0x23: {  	v6 =	vld [tilespmem:s11+$0x0]  }
0x24: {  	v5 =	vld [tilespmem:s11+$0x10]  }
0x25: {  	s12 =	simm.s32 $0x200;
	v4 =	vld [tilespmem:s11+$0x20]  }
.LBB2_2:
0x26: {  	p0 =	sne.s32 s12, $0x3E00;
	v7 =	vld [tilespmem:s11+$0x30];
	_ =	sdelay $0x1  }
.Ltmp0:
0x27: {  	v6 =	vadd.s32 v0, v6;
	(pc) =	sbr.rel @p0 .LBB2_2-.Ltmp0, $4  }
0x28: {  	s16 =	sshra.s32 s12, $0x2;
	[tilespmem:s11+$0x0] =	vst v6;
	v5 =	vadd.s32 v0, v5  }
0x29: {  	v6 =	vld [tilespmem:s16+$0x0];
	[tilespmem:s11+$0x10] =	vst v5;
	v4 =	vadd.s32 v0, v4  }
0x2a: {  	v5 =	vld [tilespmem:s16+$0x10];
	[tilespmem:s11+$0x20] =	vst v4;
	v7 =	vadd.s32 v0, v7  }
0x2b: {  	s12 =	sadd.s32 $0x200, s12;
	v4 =	vld [tilespmem:s16+$0x20];
	[tilespmem:s11+$0x30] =	vst v7;
	s11 =	smov.u32 s16  }
0x2c: {  	v7 =	vld [tilespmem:s11+$0x30];
	_ =	sdelay $0x1  }
0x2d: {  	v6 =	vadd.s32 v0, v6  }
0x2e: {  	[tilespmem:s11+$0x0] =	vst v6;
	v5 =	vadd.s32 v0, v5  }
0x2f: {  	[tilespmem:s11+$0x10] =	vst v5;
	v4 =	vadd.s32 v0, v4  }
0x30: {  	[tilespmem:s11+$0x20] =	vst v4;
	v4 =	vadd.s32 v0, v7  }
0x31: {  	[tilespmem:s11+$0x30] =	vst v4  }
0x32: {  	v4 =	vld [tilespmem:$0x0];
	_ =	sdelay $0x4  }
0x33: {  	v5 =	vshrl.u32 v4, $0x3  }
0x34: {  	v5 =	vmul.u32 $0x18, v5  }
0x35: {  	v4 =	vand.u32 $0x7, v4  }
0x36: {  	v4 =	vor.u32 v4, v5  }
0x37: {  	v5 =	vperm.xlane v4, v1;
	_ =	sdelay $0x1  }
0x38: {  	v5 =	vadd.s32 v2, v5;
	_ =	sdelay $0x1  }
0x39: {  	v4 =	vperm.xlane v4, v3;
	_ =	sdelay $0x1  }
0x3a: {  	s11 =	simm.s32 $0x0;
	v4 =	vadd.s32 v2, v4  }
0x3b: {  	[tilespmem:s14], [sflag:$0x1] =	stream.indirect_vreg.gather [hbm4b:s2+s11], $0x80, v5, vm0, $0xb8;
	[tilespmem:$0x19000] =	vst v63  }
0x3c: {  	s0 =	simm.s32 $0x1800  }
0x3d: {  	[tilespmem:s0], [sflag:$0x1] =	stream.indirect_vreg.gather [hbm4b:s6+s11], $0x80, v5, vm1, $0xb8;
	[tilespmem:$0x19000] =	vst v63  }
0x3e: {  	s12 =	simm.s32 $0x1C00  }
0x3f: {  	[tilespmem:s12], [sflag:$0x1] =	stream.indirect_vreg.gather [hbm4b:s2+s11], $0x80, v4, vm0, $0xb8;
	[tilespmem:$0x19000] =	vst v63  }
0x40: {  	s16 =	simm.s32 $0x2400  }
0x41: {  	[tilespmem:s16], [sflag:$0x1] =	stream.indirect_vreg.gather [hbm4b:s6+s11], $0x80, v4, vm1, $0xb8;
	[tilespmem:$0x19000] =	vst v63  }
0x42: {  	v4 =	vld [tilespmem:$0x10];
	_ =	sdelay $0x4  }
0x43: {  	v5 =	vshrl.u32 v4, $0x3  }
0x44: {  	v5 =	vmul.u32 $0x18, v5  }
0x45: {  	v4 =	vand.u32 $0x7, v4  }
0x46: {  	v4 =	vor.u32 v4, v5  }
0x47: {  	v5 =	vperm.xlane v4, v1;
	_ =	sdelay $0x1  }
0x48: {  	v5 =	vadd.s32 v2, v5;
	_ =	sdelay $0x1  }
0x49: {  	v4 =	vperm.xlane v4, v3;
	_ =	sdelay $0x1  }
0x4a: {  	s12 =	simm.s32 $0x2800;
	v4 =	vadd.s32 v2, v4  }
0x4b: {  	[tilespmem:s12], [sflag:$0x1] =	stream.indirect_vreg.gather [hbm4b:s2+s11], $0x80, v5, vm0, $0xb8;
	[tilespmem:$0x19000] =	vst v63  }
0x4c: {  	s16 =	simm.s32 $0x3000  }
0x4d: {  	[tilespmem:s16], [sflag:$0x1] =	stream.indirect_vreg.gather [hbm4b:s6+s11], $0x80, v5, vm1, $0xb8;
	[tilespmem:$0x19000] =	vst v63  }
0x4e: {  	s12 =	simm.s32 $0x3400  }
0x4f: {  	[tilespmem:s12], [sflag:$0x1] =	stream.indirect_vreg.gather [hbm4b:s2+s11], $0x80, v4, vm0, $0xb8;
	[tilespmem:$0x19000] =	vst v63  }
0x50: {  	s16 =	simm.s32 $0x3C00  }
0x51: {  	[tilespmem:s16], [sflag:$0x1] =	stream.indirect_vreg.gather [hbm4b:s6+s11], $0x80, v4, vm1, $0xb8;
	[tilespmem:$0x19000] =	vst v63  }
0x52: {  	v4 =	vld [tilespmem:$0x20];
	_ =	sdelay $0x4  }
0x53: {  	v5 =	vshrl.u32 v4, $0x3  }
0x54: {  	v5 =	vmul.u32 $0x18, v5  }
0x55: {  	v4 =	vand.u32 $0x7, v4  }
0x56: {  	v4 =	vor.u32 v4, v5  }
0x57: {  	v5 =	vperm.xlane v4, v1;
	_ =	sdelay $0x1  }
0x58: {  	v5 =	vadd.s32 v2, v5;
	_ =	sdelay $0x1  }
0x59: {  	v4 =	vperm.xlane v4, v3;
	_ =	sdelay $0x1  }
0x5a: {  	s12 =	simm.s32 $0x4000;
	v4 =	vadd.s32 v2, v4  }
0x5b: {  	[tilespmem:s12], [sflag:$0x1] =	stream.indirect_vreg.gather [hbm4b:s2+s11], $0x80, v5, vm0, $0xb8;
	[tilespmem:$0x19000] =	vst v63  }
0x5c: {  	s16 =	simm.s32 $0x4800  }
0x5d: {  	[tilespmem:s16], [sflag:$0x1] =	stream.indirect_vreg.gather [hbm4b:s6+s11], $0x80, v5, vm1, $0xb8;
	[tilespmem:$0x19000] =	vst v63  }
0x5e: {  	s12 =	simm.s32 $0x4C00  }
0x5f: {  	[tilespmem:s12], [sflag:$0x1] =	stream.indirect_vreg.gather [hbm4b:s2+s11], $0x80, v4, vm0, $0xb8;
	[tilespmem:$0x19000] =	vst v63  }
0x60: {  	s16 =	simm.s32 $0x5400  }
0x61: {  	[tilespmem:s16], [sflag:$0x1] =	stream.indirect_vreg.gather [hbm4b:s6+s11], $0x80, v4, vm1, $0xb8;
	[tilespmem:$0x19000] =	vst v63  }
0x62: {  	v4 =	vld [tilespmem:$0x30];
	_ =	sdelay $0x4  }
0x63: {  	v5 =	vshrl.u32 v4, $0x3  }
0x64: {  	v5 =	vmul.u32 $0x18, v5  }
0x65: {  	v4 =	vand.u32 $0x7, v4  }
0x66: {  	v4 =	vor.u32 v4, v5  }
0x67: {  	v5 =	vperm.xlane v4, v1;
	_ =	sdelay $0x1  }
0x68: {  	v5 =	vadd.s32 v2, v5;
	_ =	sdelay $0x1  }
0x69: {  	v4 =	vperm.xlane v4, v3;
	_ =	sdelay $0x1  }
0x6a: {  	s12 =	simm.s32 $0x5800;
	v4 =	vadd.s32 v2, v4  }
0x6b: {  	[tilespmem:s12], [sflag:$0x1] =	stream.indirect_vreg.gather [hbm4b:s2+s11], $0x80, v5, vm0, $0xb8;
	[tilespmem:$0x19000] =	vst v63  }
0x6c: {  	s16 =	simm.s32 $0x6000  }
0x6d: {  	[tilespmem:s16], [sflag:$0x1] =	stream.indirect_vreg.gather [hbm4b:s6+s11], $0x80, v5, vm1, $0xb8;
	[tilespmem:$0x19000] =	vst v63  }
0x6e: {  	s12 =	simm.s32 $0x6400  }
0x6f: {  	[tilespmem:s12], [sflag:$0x1] =	stream.indirect_vreg.gather [hbm4b:s2+s11], $0x80, v4, vm0, $0xb8;
	[tilespmem:$0x19000] =	vst v63  }
0x70: {  	s16 =	simm.s32 $0x6C00  }
0x71: {  	[tilespmem:s16], [sflag:$0x1] =	stream.indirect_vreg.gather [hbm4b:s6+s11], $0x80, v4, vm1, $0xb8;
	[tilespmem:$0x19000] =	vst v63  }
0x72: {  	v4 =	vld [tilespmem:$0x0];
	_ =	sdelay $0x4  }
0x73: {  	v5 =	vshrl.u32 v4, $0x3  }
0x74: {  	v5 =	vmul.u32 $0x18, v5  }
0x75: {  	v4 =	vand.u32 $0x7, v4  }
0x76: {  	v4 =	vor.u32 v4, v5  }
0x77: {  	v5 =	vperm.xlane v4, v1;
	_ =	sdelay $0x1  }
0x78: {  	v5 =	vadd.s32 v2, v5;
	_ =	sdelay $0x1  }
0x79: {  	v4 =	vperm.xlane v4, v3;
	_ =	sdelay $0x1  }
0x7a: {  	v4 =	vadd.s32 v2, v4  }
0x7b: {  	[tilespmem:s31], [sflag:$0x3] =	stream.indirect_vreg.gather [hbm4b:s4+s11], $0x80, v5, vm0, $0xb8;
	[tilespmem:$0x19000] =	vst v63  }
0x7c: {  	s12 =	simm.s32 $0xD800  }
0x7d: {  	[tilespmem:s12], [sflag:$0x3] =	stream.indirect_vreg.gather [hbm4b:s7+s11], $0x80, v5, vm1, $0xb8;
	[tilespmem:$0x19000] =	vst v63  }
0x7e: {  	_ = 	snop  }
0x7f: {  	[tilespmem:s19], [sflag:$0x3] =	stream.indirect_vreg.gather [hbm4b:s4+s11], $0x80, v4, vm0, $0xb8;
	[tilespmem:$0x19000] =	vst v63  }
0x80: {  	_ = 	snop  }
0x81: {  	[tilespmem:s20], [sflag:$0x3] =	stream.indirect_vreg.gather [hbm4b:s7+s11], $0x80, v4, vm1, $0xb8;
	[tilespmem:$0x19000] =	vst v63  }
0x82: {  	v4 =	vld [tilespmem:$0x10];
	_ =	sdelay $0x4  }
0x83: {  	v5 =	vshrl.u32 v4, $0x3  }
0x84: {  	v5 =	vmul.u32 $0x18, v5  }
0x85: {  	v4 =	vand.u32 $0x7, v4  }
0x86: {  	v4 =	vor.u32 v4, v5  }
0x87: {  	v5 =	vperm.xlane v4, v1;
	_ =	sdelay $0x1  }
0x88: {  	v5 =	vadd.s32 v2, v5;
	_ =	sdelay $0x1  }
0x89: {  	v4 =	vperm.xlane v4, v3;
	_ =	sdelay $0x1  }
0x8a: {  	v4 =	vadd.s32 v2, v4  }
0x8b: {  	[tilespmem:s21], [sflag:$0x3] =	stream.indirect_vreg.gather [hbm4b:s4+s11], $0x80, v5, vm0, $0xb8;
	[tilespmem:$0x19000] =	vst v63  }
0x8c: {  	_ = 	snop  }
0x8d: {  	[tilespmem:s23], [sflag:$0x3] =	stream.indirect_vreg.gather [hbm4b:s7+s11], $0x80, v5, vm1, $0xb8;
	[tilespmem:$0x19000] =	vst v63  }
0x8e: {  	_ = 	snop  }
0x8f: {  	[tilespmem:s24], [sflag:$0x3] =	stream.indirect_vreg.gather [hbm4b:s4+s11], $0x80, v4, vm0, $0xb8;
	[tilespmem:$0x19000] =	vst v63  }
0x90: {  	_ = 	snop  }
0x91: {  	[tilespmem:s25], [sflag:$0x3] =	stream.indirect_vreg.gather [hbm4b:s7+s11], $0x80, v4, vm1, $0xb8;
	[tilespmem:$0x19000] =	vst v63  }
0x92: {  	v4 =	vld [tilespmem:$0x20];
	_ =	sdelay $0x4  }
0x93: {  	v5 =	vshrl.u32 v4, $0x3  }
0x94: {  	v5 =	vmul.u32 $0x18, v5  }
0x95: {  	v4 =	vand.u32 $0x7, v4  }
0x96: {  	v4 =	vor.u32 v4, v5  }
0x97: {  	v5 =	vperm.xlane v4, v1;
	_ =	sdelay $0x1  }
0x98: {  	v5 =	vadd.s32 v2, v5;
	_ =	sdelay $0x1  }
0x99: {  	v4 =	vperm.xlane v4, v3;
	_ =	sdelay $0x1  }
0x9a: {  	v4 =	vadd.s32 v2, v4  }
0x9b: {  	[tilespmem:s26], [sflag:$0x3] =	stream.indirect_vreg.gather [hbm4b:s4+s11], $0x80, v5, vm0, $0xb8;
	[tilespmem:$0x19000] =	vst v63  }
0x9c: {  	_ = 	snop  }
0x9d: {  	[tilespmem:s28], [sflag:$0x3] =	stream.indirect_vreg.gather [hbm4b:s7+s11], $0x80, v5, vm1, $0xb8;
	[tilespmem:$0x19000] =	vst v63  }
0x9e: {  	_ = 	snop  }
0x9f: {  	[tilespmem:s29], [sflag:$0x3] =	stream.indirect_vreg.gather [hbm4b:s4+s11], $0x80, v4, vm0, $0xb8;
	[tilespmem:$0x19000] =	vst v63  }
0xa0: {  	_ = 	snop  }
0xa1: {  	[tilespmem:s30], [sflag:$0x3] =	stream.indirect_vreg.gather [hbm4b:s7+s11], $0x80, v4, vm1, $0xb8;
	[tilespmem:$0x19000] =	vst v63  }
0xa2: {  	v4 =	vld [tilespmem:$0x30];
	_ =	sdelay $0x4  }
0xa3: {  	v5 =	vshrl.u32 v4, $0x3  }
0xa4: {  	v5 =	vmul.u32 $0x18, v5  }
0xa5: {  	v4 =	vand.u32 $0x7, v4  }
0xa6: {  	v4 =	vor.u32 v4, v5  }
0xa7: {  	v5 =	vperm.xlane v4, v1;
	_ =	sdelay $0x1  }
0xa8: {  	v5 =	vadd.s32 v2, v5;
	_ =	sdelay $0x1  }
0xa9: {  	v4 =	vperm.xlane v4, v3;
	_ =	sdelay $0x1  }
0xaa: {  	s0 =	simm.s32 $0x11800;
	v4 =	vadd.s32 v2, v4  }
0xab: {  	[tilespmem:s0], [sflag:$0x3] =	stream.indirect_vreg.gather [hbm4b:s4+s11], $0x80, v5, vm0, $0xb8;
	[tilespmem:$0x19000] =	vst v63  }
0xac: {  	_ = 	snop  }
0xad: {  	[tilespmem:s1], [sflag:$0x3] =	stream.indirect_vreg.gather [hbm4b:s7+s11], $0x80, v5, vm1, $0xb8;
	[tilespmem:$0x19000] =	vst v63  }
0xae: {  	_ = 	snop  }
0xaf: {  	[tilespmem:s17], [sflag:$0x3] =	stream.indirect_vreg.gather [hbm4b:s4+s11], $0x80, v4, vm0, $0xb8;
	[tilespmem:$0x19000] =	vst v63  }
0xb0: {  	_ = 	snop  }
0xb1: {  	[tilespmem:s18], [sflag:$0x3] =	stream.indirect_vreg.gather [hbm4b:s7+s11], $0x80, v4, vm1, $0xb8;
	[tilespmem:$0x19000] =	vst v63  }
0xb2: {  	v4 =	vld [tilespmem:$0x80];
	_ =	sdelay $0x4  }
0xb3: {  	v5 =	vshrl.u32 v4, $0x3  }
0xb4: {  	v5 =	vmul.u32 $0x18, v5  }
0xb5: {  	v4 =	vand.u32 $0x7, v4  }
0xb6: {  	v4 =	vor.u32 v4, v5  }
0xb7: {  	v5 =	vperm.xlane v4, v1;
	_ =	sdelay $0x1  }
0xb8: {  	v5 =	vadd.s32 v2, v5;
	_ =	sdelay $0x1  }
0xb9: {  	v4 =	vperm.xlane v4, v3;
	_ =	sdelay $0x1  }
0xba: {  	v4 =	vadd.s32 v2, v4  }
0xbb: {  	[tilespmem:s22], [sflag:$0x2] =	stream.indirect_vreg.gather [hbm4b:s2+s11], $0x80, v5, vm0, $0xb8;
	[tilespmem:$0x19000] =	vst v63  }
0xbc: {  	s12 =	simm.s32 $0x7800  }
0xbd: {  	[tilespmem:s12], [sflag:$0x2] =	stream.indirect_vreg.gather [hbm4b:s6+s11], $0x80, v5, vm1, $0xb8;
	[tilespmem:$0x19000] =	vst v63  }
0xbe: {  	s16 =	simm.s32 $0x7C00  }
0xbf: {  	[tilespmem:s16], [sflag:$0x2] =	stream.indirect_vreg.gather [hbm4b:s2+s11], $0x80, v4, vm0, $0xb8;
	[tilespmem:$0x19000] =	vst v63  }
0xc0: {  	s16 =	simm.s32 $0x8400  }
0xc1: {  	[tilespmem:s16], [sflag:$0x2] =	stream.indirect_vreg.gather [hbm4b:s6+s11], $0x80, v4, vm1, $0xb8;
	[tilespmem:$0x19000] =	vst v63  }
0xc2: {  	v4 =	vld [tilespmem:$0x90];
	_ =	sdelay $0x4  }
0xc3: {  	v5 =	vshrl.u32 v4, $0x3  }
0xc4: {  	v5 =	vmul.u32 $0x18, v5  }
0xc5: {  	v4 =	vand.u32 $0x7, v4  }
0xc6: {  	v4 =	vor.u32 v4, v5  }
0xc7: {  	v5 =	vperm.xlane v4, v1;
	_ =	sdelay $0x1  }
0xc8: {  	v5 =	vadd.s32 v2, v5;
	_ =	sdelay $0x1  }
0xc9: {  	v4 =	vperm.xlane v4, v3;
	_ =	sdelay $0x1  }
0xca: {  	s16 =	simm.s32 $0x8800;
	v4 =	vadd.s32 v2, v4  }
0xcb: {  	[tilespmem:s16], [sflag:$0x2] =	stream.indirect_vreg.gather [hbm4b:s2+s11], $0x80, v5, vm0, $0xb8;
	[tilespmem:$0x19000] =	vst v63  }
0xcc: {  	s16 =	simm.s32 $0x9000  }
0xcd: {  	[tilespmem:s16], [sflag:$0x2] =	stream.indirect_vreg.gather [hbm4b:s6+s11], $0x80, v5, vm1, $0xb8;
	[tilespmem:$0x19000] =	vst v63  }
0xce: {  	s16 =	simm.s32 $0x9400  }
0xcf: {  	[tilespmem:s16], [sflag:$0x2] =	stream.indirect_vreg.gather [hbm4b:s2+s11], $0x80, v4, vm0, $0xb8;
	[tilespmem:$0x19000] =	vst v63  }
0xd0: {  	s16 =	simm.s32 $0x9C00  }
0xd1: {  	[tilespmem:s16], [sflag:$0x2] =	stream.indirect_vreg.gather [hbm4b:s6+s11], $0x80, v4, vm1, $0xb8;
	[tilespmem:$0x19000] =	vst v63  }
0xd2: {  	v4 =	vld [tilespmem:$0xA0];
	_ =	sdelay $0x4  }
0xd3: {  	v5 =	vshrl.u32 v4, $0x3  }
0xd4: {  	v5 =	vmul.u32 $0x18, v5  }
0xd5: {  	v4 =	vand.u32 $0x7, v4  }
0xd6: {  	v4 =	vor.u32 v4, v5  }
0xd7: {  	v5 =	vperm.xlane v4, v1;
	_ =	sdelay $0x1  }
0xd8: {  	v5 =	vadd.s32 v2, v5;
	_ =	sdelay $0x1  }
0xd9: {  	v4 =	vperm.xlane v4, v3;
	_ =	sdelay $0x1  }
0xda: {  	s16 =	simm.s32 $0xA000;
	v4 =	vadd.s32 v2, v4  }
0xdb: {  	[tilespmem:s16], [sflag:$0x2] =	stream.indirect_vreg.gather [hbm4b:s2+s11], $0x80, v5, vm0, $0xb8;
	[tilespmem:$0x19000] =	vst v63  }
0xdc: {  	s16 =	simm.s32 $0xA800  }
0xdd: {  	[tilespmem:s16], [sflag:$0x2] =	stream.indirect_vreg.gather [hbm4b:s6+s11], $0x80, v5, vm1, $0xb8;
	[tilespmem:$0x19000] =	vst v63  }
0xde: {  	s16 =	simm.s32 $0xAC00  }
0xdf: {  	[tilespmem:s16], [sflag:$0x2] =	stream.indirect_vreg.gather [hbm4b:s2+s11], $0x80, v4, vm0, $0xb8;
	[tilespmem:$0x19000] =	vst v63  }
0xe0: {  	s16 =	simm.s32 $0xB400  }
0xe1: {  	[tilespmem:s16], [sflag:$0x2] =	stream.indirect_vreg.gather [hbm4b:s6+s11], $0x80, v4, vm1, $0xb8;
	[tilespmem:$0x19000] =	vst v63  }
0xe2: {  	v4 =	vld [tilespmem:$0xB0];
	_ =	sdelay $0x4  }
0xe3: {  	v5 =	vshrl.u32 v4, $0x3  }
0xe4: {  	v5 =	vmul.u32 $0x18, v5  }
0xe5: {  	v4 =	vand.u32 $0x7, v4  }
0xe6: {  	v4 =	vor.u32 v4, v5  }
0xe7: {  	v5 =	vperm.xlane v4, v1;
	_ =	sdelay $0x1  }
0xe8: {  	v5 =	vadd.s32 v2, v5;
	_ =	sdelay $0x1  }
0xe9: {  	v4 =	vperm.xlane v4, v3;
	_ =	sdelay $0x1  }
0xea: {  	s16 =	simm.s32 $0xB800;
	v4 =	vadd.s32 v2, v4  }
0xeb: {  	[tilespmem:s16], [sflag:$0x2] =	stream.indirect_vreg.gather [hbm4b:s2+s11], $0x80, v5, vm0, $0xb8;
	[tilespmem:$0x19000] =	vst v63  }
0xec: {  	s16 =	simm.s32 $0xC000  }
0xed: {  	[tilespmem:s16], [sflag:$0x2] =	stream.indirect_vreg.gather [hbm4b:s6+s11], $0x80, v5, vm1, $0xb8;
	[tilespmem:$0x19000] =	vst v63  }
0xee: {  	s16 =	simm.s32 $0xC400  }
0xef: {  	[tilespmem:s16], [sflag:$0x2] =	stream.indirect_vreg.gather [hbm4b:s2+s11], $0x80, v4, vm0, $0xb8;
	[tilespmem:$0x19000] =	vst v63  }
0xf0: {  	s16 =	simm.s32 $0xCC00  }
0xf1: {  	[tilespmem:s16], [sflag:$0x2] =	stream.indirect_vreg.gather [hbm4b:s6+s11], $0x80, v4, vm1, $0xb8;
	[tilespmem:$0x19000] =	vst v63  }
0xf2: {  	v4 =	vld [tilespmem:$0x80];
	_ =	sdelay $0x4  }
0xf3: {  	v5 =	vshrl.u32 v4, $0x3  }
0xf4: {  	v5 =	vmul.u32 $0x18, v5  }
0xf5: {  	v4 =	vand.u32 $0x7, v4  }
0xf6: {  	v4 =	vor.u32 v4, v5  }
0xf7: {  	v5 =	vperm.xlane v4, v1;
	_ =	sdelay $0x1  }
0xf8: {  	v5 =	vadd.s32 v2, v5;
	_ =	sdelay $0x1  }
0xf9: {  	v4 =	vperm.xlane v4, v3;
	_ =	sdelay $0x1  }
0xfa: {  	v4 =	vadd.s32 v2, v4  }
0xfb: {  	[tilespmem:s15], [sflag:$0x4] =	stream.indirect_vreg.gather [hbm4b:s4+s11], $0x80, v5, vm0, $0xb8;
	[tilespmem:$0x19000] =	vst v63  }
0xfc: {  	s16 =	simm.s32 $0x13800  }
0xfd: {  	[tilespmem:s16], [sflag:$0x4] =	stream.indirect_vreg.gather [hbm4b:s7+s11], $0x80, v5, vm1, $0xb8;
	[tilespmem:$0x19000] =	vst v63  }
0xfe: {  	s16 =	simm.s32 $0x13C00  }
0xff: {  	[tilespmem:s16], [sflag:$0x4] =	stream.indirect_vreg.gather [hbm4b:s4+s11], $0x80, v4, vm0, $0xb8;
	[tilespmem:$0x19000] =	vst v63  }
0x100: {  	s16 =	simm.s32 $0x14400  }
0x101: {  	[tilespmem:s16], [sflag:$0x4] =	stream.indirect_vreg.gather [hbm4b:s7+s11], $0x80, v4, vm1, $0xb8;
	[tilespmem:$0x19000] =	vst v63  }
0x102: {  	v4 =	vld [tilespmem:$0x90];
	_ =	sdelay $0x4  }
0x103: {  	v5 =	vshrl.u32 v4, $0x3  }
0x104: {  	v5 =	vmul.u32 $0x18, v5  }
0x105: {  	v4 =	vand.u32 $0x7, v4  }
0x106: {  	v4 =	vor.u32 v4, v5  }
0x107: {  	v5 =	vperm.xlane v4, v1;
	_ =	sdelay $0x1  }
0x108: {  	v5 =	vadd.s32 v2, v5;
	_ =	sdelay $0x1  }
0x109: {  	v4 =	vperm.xlane v4, v3;
	_ =	sdelay $0x1  }
0x10a: {  	s16 =	simm.s32 $0x14800;
	v4 =	vadd.s32 v2, v4  }
0x10b: {  	[tilespmem:s16], [sflag:$0x4] =	stream.indirect_vreg.gather [hbm4b:s4+s11], $0x80, v5, vm0, $0xb8;
	[tilespmem:$0x19000] =	vst v63  }
0x10c: {  	s16 =	simm.s32 $0x15000  }
0x10d: {  	[tilespmem:s16], [sflag:$0x4] =	stream.indirect_vreg.gather [hbm4b:s7+s11], $0x80, v5, vm1, $0xb8;
	[tilespmem:$0x19000] =	vst v63  }
0x10e: {  	s16 =	simm.s32 $0x15400  }
0x10f: {  	[tilespmem:s16], [sflag:$0x4] =	stream.indirect_vreg.gather [hbm4b:s4+s11], $0x80, v4, vm0, $0xb8;
	[tilespmem:$0x19000] =	vst v63  }
0x110: {  	s16 =	simm.s32 $0x15C00  }
0x111: {  	[tilespmem:s16], [sflag:$0x4] =	stream.indirect_vreg.gather [hbm4b:s7+s11], $0x80, v4, vm1, $0xb8;
	[tilespmem:$0x19000] =	vst v63  }
0x112: {  	v4 =	vld [tilespmem:$0xA0];
	_ =	sdelay $0x4  }
0x113: {  	v5 =	vshrl.u32 v4, $0x3  }
0x114: {  	v5 =	vmul.u32 $0x18, v5  }
0x115: {  	v4 =	vand.u32 $0x7, v4  }
0x116: {  	v4 =	vor.u32 v4, v5  }
0x117: {  	v5 =	vperm.xlane v4, v1;
	_ =	sdelay $0x1  }
0x118: {  	v5 =	vadd.s32 v2, v5;
	_ =	sdelay $0x1  }
0x119: {  	v4 =	vperm.xlane v4, v3;
	_ =	sdelay $0x1  }
0x11a: {  	s16 =	simm.s32 $0x16000;
	v4 =	vadd.s32 v2, v4  }
0x11b: {  	[tilespmem:s16], [sflag:$0x4] =	stream.indirect_vreg.gather [hbm4b:s4+s11], $0x80, v5, vm0, $0xb8;
	[tilespmem:$0x19000] =	vst v63  }
0x11c: {  	s16 =	simm.s32 $0x16800  }
0x11d: {  	[tilespmem:s16], [sflag:$0x4] =	stream.indirect_vreg.gather [hbm4b:s7+s11], $0x80, v5, vm1, $0xb8;
	[tilespmem:$0x19000] =	vst v63  }
0x11e: {  	s16 =	simm.s32 $0x16C00  }
0x11f: {  	[tilespmem:s16], [sflag:$0x4] =	stream.indirect_vreg.gather [hbm4b:s4+s11], $0x80, v4, vm0, $0xb8;
	[tilespmem:$0x19000] =	vst v63  }
0x120: {  	s16 =	simm.s32 $0x17400  }
0x121: {  	[tilespmem:s16], [sflag:$0x4] =	stream.indirect_vreg.gather [hbm4b:s7+s11], $0x80, v4, vm1, $0xb8;
	[tilespmem:$0x19000] =	vst v63  }
0x122: {  	v4 =	vld [tilespmem:$0xB0];
	_ =	sdelay $0x4  }
0x123: {  	v5 =	vshrl.u32 v4, $0x3  }
0x124: {  	v5 =	vmul.u32 $0x18, v5  }
0x125: {  	v4 =	vand.u32 $0x7, v4  }
0x126: {  	v4 =	vor.u32 v4, v5  }
0x127: {  	v5 =	vperm.xlane v4, v1;
	_ =	sdelay $0x1  }
0x128: {  	v5 =	vadd.s32 v2, v5;
	_ =	sdelay $0x1  }
0x129: {  	v4 =	vperm.xlane v4, v3;
	_ =	sdelay $0x1  }
0x12a: {  	s16 =	simm.s32 $0x17800;
	v4 =	vadd.s32 v2, v4  }
0x12b: {  	[tilespmem:s16], [sflag:$0x4] =	stream.indirect_vreg.gather [hbm4b:s4+s11], $0x80, v5, vm0, $0xb8;
	[tilespmem:$0x19000] =	vst v63  }
0x12c: {  	s16 =	simm.s32 $0x18000  }
0x12d: {  	[tilespmem:s16], [sflag:$0x4] =	stream.indirect_vreg.gather [hbm4b:s7+s11], $0x80, v5, vm1, $0xb8;
	[tilespmem:$0x19000] =	vst v63  }
0x12e: {  	s16 =	simm.s32 $0x18400  }
0x12f: {  	[tilespmem:s16], [sflag:$0x4] =	stream.indirect_vreg.gather [hbm4b:s4+s11], $0x80, v4, vm0, $0xb8;
	[tilespmem:$0x19000] =	vst v63  }
0x130: {  	s12 =	simm.s32 $0x1B0;
	s16 =	simm.s32 $0x18C00  }
0x131: {  	[tilespmem:s16], [sflag:$0x4] =	stream.indirect_vreg.gather [hbm4b:s7+s11], $0x80, v4, vm1, $0xb8;
	[tilespmem:$0x19000] =	vst v63  }
.LBB2_4:
0x132: {  	_ =	swait.ge [sflag:s5], $0x6000  }
0x133: {  	[sflag:s5] =	ssyncset.done $0x0  }
0x134: {  	[sflag:s5] =	ssyncadd.s32 $0xFFFFA000  }
0x135: {  	_ =	swait.ge [sflag:s8], $0x6000  }
0x136: {  	s16 =	rddreg [dreg:$0x5];
	[sflag:s8] =	ssyncset.done $0x0  }
0x137: {  	[sflag:s8] =	ssyncadd.s32 $0xFFFFA000;
	s16 =	sadd.s32 s11, s16  }
0x138: {  	[hbm4b:s16+s3] =	stream.linear.scatter [tilespmem:s14], [sflag:$0x5], $0x6000, $0x38;
	[tilespmem:$0x19000] =	vst v63  }
0x139: {  	_ =	swait.ge [sflag:s13], $0x6000  }
0x13a: {  	s16 =	rddreg [dreg:$0x6];
	[sflag:s13] =	ssyncset.done $0x0  }
0x13b: {  	[sflag:s13] =	ssyncadd.s32 $0xFFFFA000;
	s16 =	sadd.s32 s11, s16  }
0x13c: {  	[hbm4b:s16+s3] =	stream.linear.scatter [tilespmem:s31], [sflag:$0x5], $0x6000, $0x38;
	[tilespmem:$0x19000] =	vst v63  }
0x13d: {  	_ =	swait.ge [sflag:s13], $0x6000  }
0x13e: {  	[sflag:s13] =	ssyncset.done $0x0  }
0x13f: {  	[sflag:s13] =	ssyncadd.s32 $0xFFFFA000  }
0x140: {  	v4 =	vld [tilespmem:s12+$0xFFFFFF50];
	_ =	sdelay $0x4  }
0x141: {  	v5 =	vshrl.u32 v4, $0x3  }
0x142: {  	v5 =	vmul.u32 $0x18, v5  }
0x143: {  	v4 =	vand.u32 $0x7, v4  }
0x144: {  	v4 =	vor.u32 v4, v5  }
0x145: {  	v5 =	vperm.xlane v4, v1;
	_ =	sdelay $0x1  }
0x146: {  	v5 =	vadd.s32 v2, v5;
	_ =	sdelay $0x1  }
0x147: {  	v4 =	vperm.xlane v4, v3;
	_ =	sdelay $0x1  }
0x148: {  	v4 =	vadd.s32 v2, v4  }
0x149: {  	[tilespmem:s14], [sflag:$0x1] =	stream.indirect_vreg.gather [hbm4b:s2+s3], $0x80, v5, vm0, $0xb8;
	[tilespmem:$0x19000] =	vst v63  }
0x14a: {  	s16 =	simm.s32 $0x1800  }
0x14b: {  	[tilespmem:s16], [sflag:$0x1] =	stream.indirect_vreg.gather [hbm4b:s6+s3], $0x80, v5, vm1, $0xb8;
	[tilespmem:$0x19000] =	vst v63  }
0x14c: {  	s16 =	simm.s32 $0x1C00  }
0x14d: {  	[tilespmem:s16], [sflag:$0x1] =	stream.indirect_vreg.gather [hbm4b:s2+s3], $0x80, v4, vm0, $0xb8;
	[tilespmem:$0x19000] =	vst v63  }
0x14e: {  	s16 =	simm.s32 $0x2400  }
0x14f: {  	[tilespmem:s16], [sflag:$0x1] =	stream.indirect_vreg.gather [hbm4b:s6+s3], $0x80, v4, vm1, $0xb8;
	[tilespmem:$0x19000] =	vst v63  }
0x150: {  	v4 =	vld [tilespmem:s12+$0xFFFFFF60];
	_ =	sdelay $0x4  }
0x151: {  	v5 =	vshrl.u32 v4, $0x3  }
0x152: {  	v5 =	vmul.u32 $0x18, v5  }
0x153: {  	v4 =	vand.u32 $0x7, v4  }
0x154: {  	v4 =	vor.u32 v4, v5  }
0x155: {  	v5 =	vperm.xlane v4, v1;
	_ =	sdelay $0x1  }
0x156: {  	v5 =	vadd.s32 v2, v5;
	_ =	sdelay $0x1  }
0x157: {  	v4 =	vperm.xlane v4, v3;
	_ =	sdelay $0x1  }
0x158: {  	s16 =	simm.s32 $0x2800;
	v4 =	vadd.s32 v2, v4  }
0x159: {  	[tilespmem:s16], [sflag:$0x1] =	stream.indirect_vreg.gather [hbm4b:s2+s3], $0x80, v5, vm0, $0xb8;
	[tilespmem:$0x19000] =	vst v63  }
0x15a: {  	s16 =	simm.s32 $0x3000  }
0x15b: {  	[tilespmem:s16], [sflag:$0x1] =	stream.indirect_vreg.gather [hbm4b:s6+s3], $0x80, v5, vm1, $0xb8;
	[tilespmem:$0x19000] =	vst v63  }
0x15c: {  	s16 =	simm.s32 $0x3400  }
0x15d: {  	[tilespmem:s16], [sflag:$0x1] =	stream.indirect_vreg.gather [hbm4b:s2+s3], $0x80, v4, vm0, $0xb8;
	[tilespmem:$0x19000] =	vst v63  }
0x15e: {  	s16 =	simm.s32 $0x3C00  }
0x15f: {  	[tilespmem:s16], [sflag:$0x1] =	stream.indirect_vreg.gather [hbm4b:s6+s3], $0x80, v4, vm1, $0xb8;
	[tilespmem:$0x19000] =	vst v63  }
0x160: {  	v4 =	vld [tilespmem:s12+$0xFFFFFF70];
	_ =	sdelay $0x4  }
0x161: {  	v5 =	vshrl.u32 v4, $0x3  }
0x162: {  	v5 =	vmul.u32 $0x18, v5  }
0x163: {  	v4 =	vand.u32 $0x7, v4  }
0x164: {  	v4 =	vor.u32 v4, v5  }
0x165: {  	v5 =	vperm.xlane v4, v1;
	_ =	sdelay $0x1  }
0x166: {  	v5 =	vadd.s32 v2, v5;
	_ =	sdelay $0x1  }
0x167: {  	v4 =	vperm.xlane v4, v3;
	_ =	sdelay $0x1  }
0x168: {  	s16 =	simm.s32 $0x4000;
	v4 =	vadd.s32 v2, v4  }
0x169: {  	[tilespmem:s16], [sflag:$0x1] =	stream.indirect_vreg.gather [hbm4b:s2+s3], $0x80, v5, vm0, $0xb8;
	[tilespmem:$0x19000] =	vst v63  }
0x16a: {  	s16 =	simm.s32 $0x4800  }
0x16b: {  	[tilespmem:s16], [sflag:$0x1] =	stream.indirect_vreg.gather [hbm4b:s6+s3], $0x80, v5, vm1, $0xb8;
	[tilespmem:$0x19000] =	vst v63  }
0x16c: {  	s16 =	simm.s32 $0x4C00  }
0x16d: {  	[tilespmem:s16], [sflag:$0x1] =	stream.indirect_vreg.gather [hbm4b:s2+s3], $0x80, v4, vm0, $0xb8;
	[tilespmem:$0x19000] =	vst v63  }
0x16e: {  	s16 =	simm.s32 $0x5400  }
0x16f: {  	[tilespmem:s16], [sflag:$0x1] =	stream.indirect_vreg.gather [hbm4b:s6+s3], $0x80, v4, vm1, $0xb8;
	[tilespmem:$0x19000] =	vst v63  }
0x170: {  	v4 =	vld [tilespmem:s12+$0xFFFFFF80];
	_ =	sdelay $0x4  }
0x171: {  	v5 =	vshrl.u32 v4, $0x3  }
0x172: {  	v5 =	vmul.u32 $0x18, v5  }
0x173: {  	v4 =	vand.u32 $0x7, v4  }
0x174: {  	v4 =	vor.u32 v4, v5  }
0x175: {  	v5 =	vperm.xlane v4, v1;
	_ =	sdelay $0x1  }
0x176: {  	v5 =	vadd.s32 v2, v5;
	_ =	sdelay $0x1  }
0x177: {  	v4 =	vperm.xlane v4, v3;
	_ =	sdelay $0x1  }
0x178: {  	s16 =	simm.s32 $0x5800;
	v4 =	vadd.s32 v2, v4  }
0x179: {  	[tilespmem:s16], [sflag:$0x1] =	stream.indirect_vreg.gather [hbm4b:s2+s3], $0x80, v5, vm0, $0xb8;
	[tilespmem:$0x19000] =	vst v63  }
0x17a: {  	s16 =	simm.s32 $0x6000  }
0x17b: {  	[tilespmem:s16], [sflag:$0x1] =	stream.indirect_vreg.gather [hbm4b:s6+s3], $0x80, v5, vm1, $0xb8;
	[tilespmem:$0x19000] =	vst v63  }
0x17c: {  	s16 =	simm.s32 $0x6400  }
0x17d: {  	[tilespmem:s16], [sflag:$0x1] =	stream.indirect_vreg.gather [hbm4b:s2+s3], $0x80, v4, vm0, $0xb8;
	[tilespmem:$0x19000] =	vst v63  }
0x17e: {  	s16 =	simm.s32 $0x6C00  }
0x17f: {  	[tilespmem:s16], [sflag:$0x1] =	stream.indirect_vreg.gather [hbm4b:s6+s3], $0x80, v4, vm1, $0xb8;
	[tilespmem:$0x19000] =	vst v63  }
0x180: {  	v4 =	vld [tilespmem:s12+$0xFFFFFF50];
	_ =	sdelay $0x4  }
0x181: {  	v5 =	vshrl.u32 v4, $0x3  }
0x182: {  	v5 =	vmul.u32 $0x18, v5  }
0x183: {  	v4 =	vand.u32 $0x7, v4  }
0x184: {  	v4 =	vor.u32 v4, v5  }
0x185: {  	v5 =	vperm.xlane v4, v1;
	_ =	sdelay $0x1  }
0x186: {  	v5 =	vadd.s32 v2, v5;
	_ =	sdelay $0x1  }
0x187: {  	v4 =	vperm.xlane v4, v3;
	_ =	sdelay $0x1  }
0x188: {  	v4 =	vadd.s32 v2, v4  }
0x189: {  	[tilespmem:s31], [sflag:$0x3] =	stream.indirect_vreg.gather [hbm4b:s4+s3], $0x80, v5, vm0, $0xb8;
	[tilespmem:$0x19000] =	vst v63  }
0x18a: {  	s16 =	simm.s32 $0xD800  }
0x18b: {  	[tilespmem:s16], [sflag:$0x3] =	stream.indirect_vreg.gather [hbm4b:s7+s3], $0x80, v5, vm1, $0xb8;
	[tilespmem:$0x19000] =	vst v63  }
0x18c: {  	_ = 	snop  }
0x18d: {  	[tilespmem:s19], [sflag:$0x3] =	stream.indirect_vreg.gather [hbm4b:s4+s3], $0x80, v4, vm0, $0xb8;
	[tilespmem:$0x19000] =	vst v63  }
0x18e: {  	_ = 	snop  }
0x18f: {  	[tilespmem:s20], [sflag:$0x3] =	stream.indirect_vreg.gather [hbm4b:s7+s3], $0x80, v4, vm1, $0xb8;
	[tilespmem:$0x19000] =	vst v63  }
0x190: {  	v4 =	vld [tilespmem:s12+$0xFFFFFF60];
	_ =	sdelay $0x4  }
0x191: {  	v5 =	vshrl.u32 v4, $0x3  }
0x192: {  	v5 =	vmul.u32 $0x18, v5  }
0x193: {  	v4 =	vand.u32 $0x7, v4  }
0x194: {  	v4 =	vor.u32 v4, v5  }
0x195: {  	v5 =	vperm.xlane v4, v1;
	_ =	sdelay $0x1  }
0x196: {  	v5 =	vadd.s32 v2, v5;
	_ =	sdelay $0x1  }
0x197: {  	v4 =	vperm.xlane v4, v3;
	_ =	sdelay $0x1  }
0x198: {  	v4 =	vadd.s32 v2, v4  }
0x199: {  	[tilespmem:s21], [sflag:$0x3] =	stream.indirect_vreg.gather [hbm4b:s4+s3], $0x80, v5, vm0, $0xb8;
	[tilespmem:$0x19000] =	vst v63  }
0x19a: {  	_ = 	snop  }
0x19b: {  	[tilespmem:s23], [sflag:$0x3] =	stream.indirect_vreg.gather [hbm4b:s7+s3], $0x80, v5, vm1, $0xb8;
	[tilespmem:$0x19000] =	vst v63  }
0x19c: {  	_ = 	snop  }
0x19d: {  	[tilespmem:s24], [sflag:$0x3] =	stream.indirect_vreg.gather [hbm4b:s4+s3], $0x80, v4, vm0, $0xb8;
	[tilespmem:$0x19000] =	vst v63  }
0x19e: {  	_ = 	snop  }
0x19f: {  	[tilespmem:s25], [sflag:$0x3] =	stream.indirect_vreg.gather [hbm4b:s7+s3], $0x80, v4, vm1, $0xb8;
	[tilespmem:$0x19000] =	vst v63  }
0x1a0: {  	v4 =	vld [tilespmem:s12+$0xFFFFFF70];
	_ =	sdelay $0x4  }
0x1a1: {  	v5 =	vshrl.u32 v4, $0x3  }
0x1a2: {  	v5 =	vmul.u32 $0x18, v5  }
0x1a3: {  	v4 =	vand.u32 $0x7, v4  }
0x1a4: {  	v4 =	vor.u32 v4, v5  }
0x1a5: {  	v5 =	vperm.xlane v4, v1;
	_ =	sdelay $0x1  }
0x1a6: {  	v5 =	vadd.s32 v2, v5;
	_ =	sdelay $0x1  }
0x1a7: {  	v4 =	vperm.xlane v4, v3;
	_ =	sdelay $0x1  }
0x1a8: {  	v4 =	vadd.s32 v2, v4  }
0x1a9: {  	[tilespmem:s26], [sflag:$0x3] =	stream.indirect_vreg.gather [hbm4b:s4+s3], $0x80, v5, vm0, $0xb8;
	[tilespmem:$0x19000] =	vst v63  }
0x1aa: {  	_ = 	snop  }
0x1ab: {  	[tilespmem:s28], [sflag:$0x3] =	stream.indirect_vreg.gather [hbm4b:s7+s3], $0x80, v5, vm1, $0xb8;
	[tilespmem:$0x19000] =	vst v63  }
0x1ac: {  	_ = 	snop  }
0x1ad: {  	[tilespmem:s29], [sflag:$0x3] =	stream.indirect_vreg.gather [hbm4b:s4+s3], $0x80, v4, vm0, $0xb8;
	[tilespmem:$0x19000] =	vst v63  }
0x1ae: {  	_ = 	snop  }
0x1af: {  	[tilespmem:s30], [sflag:$0x3] =	stream.indirect_vreg.gather [hbm4b:s7+s3], $0x80, v4, vm1, $0xb8;
	[tilespmem:$0x19000] =	vst v63  }
0x1b0: {  	v4 =	vld [tilespmem:s12+$0xFFFFFF80];
	_ =	sdelay $0x4  }
0x1b1: {  	v5 =	vshrl.u32 v4, $0x3  }
0x1b2: {  	v5 =	vmul.u32 $0x18, v5  }
0x1b3: {  	v4 =	vand.u32 $0x7, v4  }
0x1b4: {  	v4 =	vor.u32 v4, v5  }
0x1b5: {  	v5 =	vperm.xlane v4, v1;
	_ =	sdelay $0x1  }
0x1b6: {  	v5 =	vadd.s32 v2, v5;
	_ =	sdelay $0x1  }
0x1b7: {  	v4 =	vperm.xlane v4, v3;
	_ =	sdelay $0x1  }
0x1b8: {  	v4 =	vadd.s32 v2, v4  }
0x1b9: {  	[tilespmem:s0], [sflag:$0x3] =	stream.indirect_vreg.gather [hbm4b:s4+s3], $0x80, v5, vm0, $0xb8;
	[tilespmem:$0x19000] =	vst v63  }
0x1ba: {  	_ = 	snop  }
0x1bb: {  	[tilespmem:s1], [sflag:$0x3] =	stream.indirect_vreg.gather [hbm4b:s7+s3], $0x80, v5, vm1, $0xb8;
	[tilespmem:$0x19000] =	vst v63  }
0x1bc: {  	_ = 	snop  }
0x1bd: {  	[tilespmem:s17], [sflag:$0x3] =	stream.indirect_vreg.gather [hbm4b:s4+s3], $0x80, v4, vm0, $0xb8;
	[tilespmem:$0x19000] =	vst v63  }
0x1be: {  	_ = 	snop  }
0x1bf: {  	[tilespmem:s18], [sflag:$0x3] =	stream.indirect_vreg.gather [hbm4b:s7+s3], $0x80, v4, vm1, $0xb8;
	[tilespmem:$0x19000] =	vst v63  }
0x1c0: {  	_ =	swait.ge [sflag:s9], $0x6000  }
0x1c1: {  	[sflag:s9] =	ssyncset.done $0x0  }
0x1c2: {  	[sflag:s9] =	ssyncadd.s32 $0xFFFFA000  }
0x1c3: {  	_ =	swait.ge [sflag:s10], $0x6000  }
0x1c4: {  	s16 =	rddreg [dreg:$0x4];
	[sflag:s10] =	ssyncset.done $0x0  }
0x1c5: {  	[sflag:s10] =	ssyncadd.s32 $0xFFFFA000;
	s16 =	sadd.s32 s11, s16  }
0x1c6: {  	[hbm4b:s16+s3] =	stream.linear.scatter [tilespmem:s22], [sflag:$0x5], $0x6000, $0x38;
	[tilespmem:$0x19000] =	vst v63  }
0x1c7: {  	_ =	swait.ge [sflag:s13], $0x6000  }
0x1c8: {  	s16 =	rddreg [dreg:$0x3];
	[sflag:s13] =	ssyncset.done $0x0  }
0x1c9: {  	[sflag:s13] =	ssyncadd.s32 $0xFFFFA000;
	s16 =	sadd.s32 s11, s16  }
0x1ca: {  	[hbm4b:s16+s3] =	stream.linear.scatter [tilespmem:s15], [sflag:$0x5], $0x6000, $0x38;
	[tilespmem:$0x19000] =	vst v63  }
0x1cb: {  	_ =	swait.ge [sflag:s13], $0x6000  }
0x1cc: {  	[sflag:s13] =	ssyncset.done $0x0  }
0x1cd: {  	[sflag:s13] =	ssyncadd.s32 $0xFFFFA000  }
0x1ce: {  	v4 =	vld [tilespmem:s12+$0xFFFFFFD0];
	_ =	sdelay $0x4  }
0x1cf: {  	v5 =	vshrl.u32 v4, $0x3  }
0x1d0: {  	v5 =	vmul.u32 $0x18, v5  }
0x1d1: {  	v4 =	vand.u32 $0x7, v4  }
0x1d2: {  	v4 =	vor.u32 v4, v5  }
0x1d3: {  	v5 =	vperm.xlane v4, v1;
	_ =	sdelay $0x1  }
0x1d4: {  	v5 =	vadd.s32 v2, v5;
	_ =	sdelay $0x1  }
0x1d5: {  	v4 =	vperm.xlane v4, v3;
	_ =	sdelay $0x1  }
0x1d6: {  	v4 =	vadd.s32 v2, v4  }
0x1d7: {  	[tilespmem:s22], [sflag:$0x2] =	stream.indirect_vreg.gather [hbm4b:s2+s3], $0x80, v5, vm0, $0xb8;
	[tilespmem:$0x19000] =	vst v63  }
0x1d8: {  	s16 =	simm.s32 $0x7800  }
0x1d9: {  	[tilespmem:s16], [sflag:$0x2] =	stream.indirect_vreg.gather [hbm4b:s6+s3], $0x80, v5, vm1, $0xb8;
	[tilespmem:$0x19000] =	vst v63  }
0x1da: {  	s16 =	simm.s32 $0x7C00  }
0x1db: {  	[tilespmem:s16], [sflag:$0x2] =	stream.indirect_vreg.gather [hbm4b:s2+s3], $0x80, v4, vm0, $0xb8;
	[tilespmem:$0x19000] =	vst v63  }
0x1dc: {  	s16 =	simm.s32 $0x8400  }
0x1dd: {  	[tilespmem:s16], [sflag:$0x2] =	stream.indirect_vreg.gather [hbm4b:s6+s3], $0x80, v4, vm1, $0xb8;
	[tilespmem:$0x19000] =	vst v63  }
0x1de: {  	v4 =	vld [tilespmem:s12+$0xFFFFFFE0];
	_ =	sdelay $0x4  }
0x1df: {  	v5 =	vshrl.u32 v4, $0x3  }
0x1e0: {  	v5 =	vmul.u32 $0x18, v5  }
0x1e1: {  	v4 =	vand.u32 $0x7, v4  }
0x1e2: {  	v4 =	vor.u32 v4, v5  }
0x1e3: {  	v5 =	vperm.xlane v4, v1;
	_ =	sdelay $0x1  }
0x1e4: {  	v5 =	vadd.s32 v2, v5;
	_ =	sdelay $0x1  }
0x1e5: {  	v4 =	vperm.xlane v4, v3;
	_ =	sdelay $0x1  }
0x1e6: {  	s16 =	simm.s32 $0x8800;
	v4 =	vadd.s32 v2, v4  }
0x1e7: {  	[tilespmem:s16], [sflag:$0x2] =	stream.indirect_vreg.gather [hbm4b:s2+s3], $0x80, v5, vm0, $0xb8;
	[tilespmem:$0x19000] =	vst v63  }
0x1e8: {  	s16 =	simm.s32 $0x9000  }
0x1e9: {  	[tilespmem:s16], [sflag:$0x2] =	stream.indirect_vreg.gather [hbm4b:s6+s3], $0x80, v5, vm1, $0xb8;
	[tilespmem:$0x19000] =	vst v63  }
0x1ea: {  	s16 =	simm.s32 $0x9400  }
0x1eb: {  	[tilespmem:s16], [sflag:$0x2] =	stream.indirect_vreg.gather [hbm4b:s2+s3], $0x80, v4, vm0, $0xb8;
	[tilespmem:$0x19000] =	vst v63  }
0x1ec: {  	s16 =	simm.s32 $0x9C00  }
0x1ed: {  	[tilespmem:s16], [sflag:$0x2] =	stream.indirect_vreg.gather [hbm4b:s6+s3], $0x80, v4, vm1, $0xb8;
	[tilespmem:$0x19000] =	vst v63  }
0x1ee: {  	v4 =	vld [tilespmem:s12+$0xFFFFFFF0];
	_ =	sdelay $0x4  }
0x1ef: {  	v5 =	vshrl.u32 v4, $0x3  }
0x1f0: {  	v5 =	vmul.u32 $0x18, v5  }
0x1f1: {  	v4 =	vand.u32 $0x7, v4  }
0x1f2: {  	v4 =	vor.u32 v4, v5  }
0x1f3: {  	v5 =	vperm.xlane v4, v1;
	_ =	sdelay $0x1  }
0x1f4: {  	v5 =	vadd.s32 v2, v5;
	_ =	sdelay $0x1  }
0x1f5: {  	v4 =	vperm.xlane v4, v3;
	_ =	sdelay $0x1  }
0x1f6: {  	s16 =	simm.s32 $0xA000;
	v4 =	vadd.s32 v2, v4  }
0x1f7: {  	[tilespmem:s16], [sflag:$0x2] =	stream.indirect_vreg.gather [hbm4b:s2+s3], $0x80, v5, vm0, $0xb8;
	[tilespmem:$0x19000] =	vst v63  }
0x1f8: {  	s16 =	simm.s32 $0xA800  }
0x1f9: {  	[tilespmem:s16], [sflag:$0x2] =	stream.indirect_vreg.gather [hbm4b:s6+s3], $0x80, v5, vm1, $0xb8;
	[tilespmem:$0x19000] =	vst v63  }
0x1fa: {  	s16 =	simm.s32 $0xAC00  }
0x1fb: {  	[tilespmem:s16], [sflag:$0x2] =	stream.indirect_vreg.gather [hbm4b:s2+s3], $0x80, v4, vm0, $0xb8;
	[tilespmem:$0x19000] =	vst v63  }
0x1fc: {  	s16 =	simm.s32 $0xB400  }
0x1fd: {  	[tilespmem:s16], [sflag:$0x2] =	stream.indirect_vreg.gather [hbm4b:s6+s3], $0x80, v4, vm1, $0xb8;
	[tilespmem:$0x19000] =	vst v63  }
0x1fe: {  	v4 =	vld [tilespmem:s12+$0x0];
	_ =	sdelay $0x4  }
0x1ff: {  	v5 =	vshrl.u32 v4, $0x3  }
0x200: {  	v5 =	vmul.u32 $0x18, v5  }
0x201: {  	v4 =	vand.u32 $0x7, v4  }
0x202: {  	v4 =	vor.u32 v4, v5  }
0x203: {  	v5 =	vperm.xlane v4, v1;
	_ =	sdelay $0x1  }
0x204: {  	v5 =	vadd.s32 v2, v5;
	_ =	sdelay $0x1  }
0x205: {  	v4 =	vperm.xlane v4, v3;
	_ =	sdelay $0x1  }
0x206: {  	s16 =	simm.s32 $0xB800;
	v4 =	vadd.s32 v2, v4  }
0x207: {  	[tilespmem:s16], [sflag:$0x2] =	stream.indirect_vreg.gather [hbm4b:s2+s3], $0x80, v5, vm0, $0xb8;
	[tilespmem:$0x19000] =	vst v63  }
0x208: {  	s16 =	simm.s32 $0xC000  }
0x209: {  	[tilespmem:s16], [sflag:$0x2] =	stream.indirect_vreg.gather [hbm4b:s6+s3], $0x80, v5, vm1, $0xb8;
	[tilespmem:$0x19000] =	vst v63  }
0x20a: {  	s16 =	simm.s32 $0xC400  }
0x20b: {  	[tilespmem:s16], [sflag:$0x2] =	stream.indirect_vreg.gather [hbm4b:s2+s3], $0x80, v4, vm0, $0xb8;
	[tilespmem:$0x19000] =	vst v63  }
0x20c: {  	s16 =	simm.s32 $0xCC00  }
0x20d: {  	[tilespmem:s16], [sflag:$0x2] =	stream.indirect_vreg.gather [hbm4b:s6+s3], $0x80, v4, vm1, $0xb8;
	[tilespmem:$0x19000] =	vst v63  }
0x20e: {  	v4 =	vld [tilespmem:s12+$0xFFFFFFD0];
	_ =	sdelay $0x4  }
0x20f: {  	v5 =	vshrl.u32 v4, $0x3  }
0x210: {  	v5 =	vmul.u32 $0x18, v5  }
0x211: {  	v4 =	vand.u32 $0x7, v4  }
0x212: {  	v4 =	vor.u32 v4, v5  }
0x213: {  	v5 =	vperm.xlane v4, v1;
	_ =	sdelay $0x1  }
0x214: {  	v5 =	vadd.s32 v2, v5;
	_ =	sdelay $0x1  }
0x215: {  	v4 =	vperm.xlane v4, v3;
	_ =	sdelay $0x1  }
0x216: {  	v4 =	vadd.s32 v2, v4  }
0x217: {  	[tilespmem:s15], [sflag:$0x4] =	stream.indirect_vreg.gather [hbm4b:s4+s3], $0x80, v5, vm0, $0xb8;
	[tilespmem:$0x19000] =	vst v63  }
0x218: {  	s16 =	simm.s32 $0x13800  }
0x219: {  	[tilespmem:s16], [sflag:$0x4] =	stream.indirect_vreg.gather [hbm4b:s7+s3], $0x80, v5, vm1, $0xb8;
	[tilespmem:$0x19000] =	vst v63  }
0x21a: {  	s16 =	simm.s32 $0x13C00  }
0x21b: {  	[tilespmem:s16], [sflag:$0x4] =	stream.indirect_vreg.gather [hbm4b:s4+s3], $0x80, v4, vm0, $0xb8;
	[tilespmem:$0x19000] =	vst v63  }
0x21c: {  	s16 =	simm.s32 $0x14400  }
0x21d: {  	[tilespmem:s16], [sflag:$0x4] =	stream.indirect_vreg.gather [hbm4b:s7+s3], $0x80, v4, vm1, $0xb8;
	[tilespmem:$0x19000] =	vst v63  }
0x21e: {  	v4 =	vld [tilespmem:s12+$0xFFFFFFE0];
	_ =	sdelay $0x4  }
0x21f: {  	v5 =	vshrl.u32 v4, $0x3  }
0x220: {  	v5 =	vmul.u32 $0x18, v5  }
0x221: {  	v4 =	vand.u32 $0x7, v4  }
0x222: {  	v4 =	vor.u32 v4, v5  }
0x223: {  	v5 =	vperm.xlane v4, v1;
	_ =	sdelay $0x1  }
0x224: {  	v5 =	vadd.s32 v2, v5;
	_ =	sdelay $0x1  }
0x225: {  	v4 =	vperm.xlane v4, v3;
	_ =	sdelay $0x1  }
0x226: {  	s16 =	simm.s32 $0x14800;
	v4 =	vadd.s32 v2, v4  }
0x227: {  	[tilespmem:s16], [sflag:$0x4] =	stream.indirect_vreg.gather [hbm4b:s4+s3], $0x80, v5, vm0, $0xb8;
	[tilespmem:$0x19000] =	vst v63  }
0x228: {  	s16 =	simm.s32 $0x15000  }
0x229: {  	[tilespmem:s16], [sflag:$0x4] =	stream.indirect_vreg.gather [hbm4b:s7+s3], $0x80, v5, vm1, $0xb8;
	[tilespmem:$0x19000] =	vst v63  }
0x22a: {  	s16 =	simm.s32 $0x15400  }
0x22b: {  	[tilespmem:s16], [sflag:$0x4] =	stream.indirect_vreg.gather [hbm4b:s4+s3], $0x80, v4, vm0, $0xb8;
	[tilespmem:$0x19000] =	vst v63  }
0x22c: {  	s16 =	simm.s32 $0x15C00  }
0x22d: {  	[tilespmem:s16], [sflag:$0x4] =	stream.indirect_vreg.gather [hbm4b:s7+s3], $0x80, v4, vm1, $0xb8;
	[tilespmem:$0x19000] =	vst v63  }
0x22e: {  	v4 =	vld [tilespmem:s12+$0xFFFFFFF0];
	_ =	sdelay $0x4  }
0x22f: {  	v5 =	vshrl.u32 v4, $0x3  }
0x230: {  	v5 =	vmul.u32 $0x18, v5  }
0x231: {  	v4 =	vand.u32 $0x7, v4  }
0x232: {  	v4 =	vor.u32 v4, v5  }
0x233: {  	v5 =	vperm.xlane v4, v1;
	_ =	sdelay $0x1  }
0x234: {  	v5 =	vadd.s32 v2, v5;
	_ =	sdelay $0x1  }
0x235: {  	v4 =	vperm.xlane v4, v3;
	_ =	sdelay $0x1  }
0x236: {  	s16 =	simm.s32 $0x16000;
	v4 =	vadd.s32 v2, v4  }
0x237: {  	[tilespmem:s16], [sflag:$0x4] =	stream.indirect_vreg.gather [hbm4b:s4+s3], $0x80, v5, vm0, $0xb8;
	[tilespmem:$0x19000] =	vst v63  }
0x238: {  	s16 =	simm.s32 $0x16800  }
0x239: {  	[tilespmem:s16], [sflag:$0x4] =	stream.indirect_vreg.gather [hbm4b:s7+s3], $0x80, v5, vm1, $0xb8;
	[tilespmem:$0x19000] =	vst v63  }
0x23a: {  	s16 =	simm.s32 $0x16C00  }
0x23b: {  	[tilespmem:s16], [sflag:$0x4] =	stream.indirect_vreg.gather [hbm4b:s4+s3], $0x80, v4, vm0, $0xb8;
	[tilespmem:$0x19000] =	vst v63  }
0x23c: {  	s16 =	simm.s32 $0x17400  }
0x23d: {  	[tilespmem:s16], [sflag:$0x4] =	stream.indirect_vreg.gather [hbm4b:s7+s3], $0x80, v4, vm1, $0xb8;
	[tilespmem:$0x19000] =	vst v63  }
0x23e: {  	v4 =	vld [tilespmem:s12+$0x0];
	_ =	sdelay $0x4  }
0x23f: {  	v5 =	vshrl.u32 v4, $0x3  }
0x240: {  	v5 =	vmul.u32 $0x18, v5  }
0x241: {  	v4 =	vand.u32 $0x7, v4  }
0x242: {  	v4 =	vor.u32 v4, v5  }
0x243: {  	v5 =	vperm.xlane v4, v1;
	_ =	sdelay $0x1  }
0x244: {  	v5 =	vadd.s32 v2, v5;
	_ =	sdelay $0x2  }
0x245: {  	v4 =	vperm.xlane v4, v3  }
0x246: {  	s16 =	simm.s32 $0x17800  }
0x247: {  	v4 =	vadd.s32 v2, v4;
	[tilespmem:s16], [sflag:$0x4] =	stream.indirect_vreg.gather [hbm4b:s4+s3], $0x80, v5, vm0, $0xb8;
	[tilespmem:$0x19000] =	vst v63  }
0x248: {  	p0 =	sne.s32 s11, $0x15000;
	s16 =	simm.s32 $0x18000  }
0x249: {  	[tilespmem:s16], [sflag:$0x4] =	stream.indirect_vreg.gather [hbm4b:s7+s3], $0x80, v5, vm1, $0xb8;
	[tilespmem:$0x19000] =	vst v63  }
.Ltmp1:
0x24a: {  	_ = 	snop;
	(pc) =	sbr.rel @p0 .LBB2_4-.Ltmp1, $4  }
0x24b: {  	s16 =	simm.s32 $0x18400  }
0x24c: {  	[tilespmem:s16], [sflag:$0x4] =	stream.indirect_vreg.gather [hbm4b:s4+s3], $0x80, v4, vm0, $0xb8;
	[tilespmem:$0x19000] =	vst v63  }
0x24d: {  	s11 =	sadd.s32 $0x1800, s11;
	s12 =	sadd.s32 $0x100, s12;
	s16 =	simm.s32 $0x18C00  }
0x24e: {  	[tilespmem:s16], [sflag:$0x4] =	stream.indirect_vreg.gather [hbm4b:s7+s3], $0x80, v4, vm1, $0xb8;
	[tilespmem:$0x19000] =	vst v63  }
0x24f: {  	_ =	swait.ge [sflag:s5], $0x6000  }
0x250: {  	[sflag:s5] =	ssyncset.done $0x0  }
0x251: {  	[sflag:s5] =	ssyncadd.s32 $0xFFFFA000  }
0x252: {  	_ =	swait.ge [sflag:s8], $0x6000  }
0x253: {  	[sflag:s8] =	ssyncset.done $0x0  }
0x254: {  	s11 =	rddreg [dreg:$0x8];
	[sflag:s8] =	ssyncadd.s32 $0xFFFFA000  }
0x255: {  	[hbm4b:s11+s3] =	stream.linear.scatter [tilespmem:s14], [sflag:$0x5], $0x6000, $0x38;
	[tilespmem:$0x19000] =	vst v63  }
0x256: {  	_ =	swait.ge [sflag:s13], $0x6000  }
0x257: {  	[sflag:s13] =	ssyncset.done $0x0  }
0x258: {  	s16 =	rddreg [dreg:$0x9];
	[sflag:s13] =	ssyncadd.s32 $0xFFFFA000  }
0x259: {  	[hbm4b:s16+s3] =	stream.linear.scatter [tilespmem:s31], [sflag:$0x5], $0x6000, $0x38;
	[tilespmem:$0x19000] =	vst v63  }
0x25a: {  	_ =	swait.ge [sflag:s13], $0x6000  }
0x25b: {  	[sflag:s13] =	ssyncset.done $0x0  }
0x25c: {  	[sflag:s13] =	ssyncadd.s32 $0xFFFFA000  }
0x25d: {  	_ =	swait.ge [sflag:s9], $0x6000  }
0x25e: {  	[sflag:s9] =	ssyncset.done $0x0  }
0x25f: {  	[sflag:s9] =	ssyncadd.s32 $0xFFFFA000  }
0x260: {  	_ =	swait.ge [sflag:s10], $0x6000  }
0x261: {  	[sflag:s10] =	ssyncset.done $0x0  }
0x262: {  	s0 =	rddreg [dreg:$0xa];
	[sflag:s10] =	ssyncadd.s32 $0xFFFFA000  }
0x263: {  	[hbm4b:s0+s3] =	stream.linear.scatter [tilespmem:s22], [sflag:$0x5], $0x6000, $0x38;
	[tilespmem:$0x19000] =	vst v63  }
0x264: {  	_ =	swait.ge [sflag:s13], $0x6000  }
0x265: {  	[sflag:s13] =	ssyncset.done $0x0  }
0x266: {  	s12 =	rddreg [dreg:$0xb];
	[sflag:s13] =	ssyncadd.s32 $0xFFFFA000  }
0x267: {  	[hbm4b:s12+s3] =	stream.linear.scatter [tilespmem:s15], [sflag:$0x5], $0x6000, $0x38;
	[tilespmem:$0x19000] =	vst v63  }
0x268: {  	_ =	swait.ge [sflag:s13], $0x6000  }
0x269: {  	s0 =	rddreg [dreg:$0xd]  }
0x26a: {  	s16 =	rddreg [dreg:$0xc];
	s0 =	sadd.s32 $0x1, s0  }
0x26b: {  	p0 =	sne.s32 s0, s16  }
.Ltmp2:
0x26c: {  	_ = 	snop;
	(pc) =	sbr.rel @p0 .LBB2_1-.Ltmp2, $3  }
0x26d: {  	_ =	sdelay $0x1  }
0x26e: {  	[sflag:s13] =	ssyncset.done $0x0  }
0x26f: {  	[sflag:s13] =	ssyncadd.s32 $0xFFFFA000  }
0x270: {  	_ =	sfence.sel $0x180000  }
0x271: {  	[bflag:$0x0] =	sbarrier.arrive $0xFFFF  }
0x272: {  	_ =	strace $0x90000047  }
0x273: {  	s0 =	stileid.u32;
	[bflag:$0x2] =	sbarrier.arrive $0xFFFF  }
0x274: {  	p0 =	sne.s32 s0, $0x0;
	s0 =	rddreg [dreg:$0x2]  }
0x275: {  	s0 =	sadd.s32 @!p0 $0x100000, s0  }
0x276: {  	[sflag:s0] =	ssyncadd.tile.s32 @!p0 $0x1;
	_ =	shalt  }
.Lfunc_end2:
_tile_overlayer_lowered:
.L_overlay_start_2:
0x277: {  	(tag) =	ssettag $0x2  }
0x278: {  	s0 =	rddreg [dreg:$0x0];
	s2 =	stileid.u32  }
0x279: {  	s1 =	rddreg [dreg:$0x1];
	p0 =	sne.s32 s2, $0x0  }
0x27a: {  	s3 =	rddreg [dreg:$0x2];
	[bflag:$0x3] =	sbarrier.arrive $0xFFFF;
	s2 =	simm.s32 @!p0 $0x1C05  }
0x27b: {  	[timem:s3], [sflag:s2] =	dma.local @!p0 [hbm:s0], s1  }
0x27c: {  	s0 =	simm.s32 @!p0 $0x5  }
0x27d: {  	_ =	swait.ge @!p0 [sflag:s0], s1  }
0x27e: {  	s1 =	ssub.s32 @!p0 $0x0, s1;
	[sflag:s0] =	ssyncset.done @!p0 $0x0  }
0x27f: {  	[sflag:s0] =	ssyncadd.s32 @!p0 s1  }
0x280: {  	[bflag:$0x3] =	sbarrier.arrive $0xFFFF  }
0x281: {  	_ =	shalt  }

</sc_bundles>
